<compile_context>
chip_gen: v7x
topology: tpu7x:2x2x1
jax: 0.10.2.dev20260603
libtpu: 0.0.44.dev20260713+nightly
codegen_flags: <defaults>
</compile_context>

<pallas_src>
import jax
import jax.numpy as jnp
from jax import lax
from jax.experimental import pallas as pl
from jax.experimental.pallas import tpu as pltpu
from jax.experimental.pallas import tpu_sc as plsc

B, S = 16384, 50
DIM = 32
NC, NS = 2, 16
NW = NC * NS
BW = B // NW
IDX_PER_XFER = 128
XFERS = BW // IDX_PER_XFER


def _gather_body(idx_hbm, table_hbm, out_hbm, idx0, idx1, rows0, rows1,
                 gsem0, gsem1, wsem0, wsem1):
  wid = lax.axis_index("s") * NC + lax.axis_index("c")
  b0 = wid * BW

  def stage_and_fire(s, idx_v, rows_v, gsem):
    pltpu.sync_copy(idx_hbm.at[s, wid], idx_v)
    for j in range(XFERS):
      pltpu.async_copy(
          table_hbm.at[idx_v.at[j]],
          rows_v.at[pl.ds(j * IDX_PER_XFER, IDX_PER_XFER)],
          gsem,
      )

  def drain_gathers(idx_v, rows_v, gsem):
    for j in range(XFERS):
      pltpu.make_async_copy(
          table_hbm.at[idx_v.at[j]],
          rows_v.at[pl.ds(j * IDX_PER_XFER, IDX_PER_XFER)],
          gsem,
      ).wait()

  def write(s, rows_v, wsem):
    pltpu.async_copy(rows_v, out_hbm.at[s, pl.ds(b0, BW)], wsem)

  def drain_write(rows_v, wsem):
    pltpu.make_async_copy(rows_v, out_hbm.at[0, pl.ds(b0, BW)], wsem).wait()

  def step(k, first):
    for s_off, idx_v, rows_v, gsem, wsem in (
        (0, idx0, rows0, gsem0, wsem0),
        (1, idx1, rows1, gsem1, wsem1),
    ):
      s = k * 2 + s_off
      drain_gathers(idx_v, rows_v, gsem)
      write(s, rows_v, wsem)

      @pl.when(k <= S // 2 - 2)
      def _():
        drain_write(rows_v, wsem)
        stage_and_fire(s + 2, idx_v, rows_v, gsem)

  stage_and_fire(0, idx0, rows0, gsem0)
  stage_and_fire(1, idx1, rows1, gsem1)
  step(0, True)
  lax.fori_loop(1, S // 2, lambda k, c: (step(k, False), c)[1], 0)
  drain_write(rows0, wsem0)
  drain_write(rows1, wsem1)


@jax.jit
def _embed(indices, table):
  idx4 = indices.T.reshape(S, NW, XFERS, IDX_PER_XFER).astype(jnp.int32)
  mesh = plsc.VectorSubcoreMesh(
      core_axis_name="c", subcore_axis_name="s", num_cores=NC, num_subcores=NS
  )
  out_t = pl.kernel(
      _gather_body,
      out_type=jax.ShapeDtypeStruct((S, B, DIM), jnp.float32),
      mesh=mesh,
      scratch_types=[
          pltpu.VMEM((XFERS, IDX_PER_XFER), jnp.int32),
          pltpu.VMEM((XFERS, IDX_PER_XFER), jnp.int32),
          pltpu.VMEM((BW, DIM), jnp.float32),
          pltpu.VMEM((BW, DIM), jnp.float32),
          pltpu.SemaphoreType.DMA,
          pltpu.SemaphoreType.DMA,
          pltpu.SemaphoreType.DMA,
          pltpu.SemaphoreType.DMA,
      ],
      compiler_params=pltpu.CompilerParams(
          use_tc_tiling_on_sc=False,
          needs_layout_passes=False,
          disable_bounds_checks=True,
      ),
  )(idx4, table)
  return out_t


def kernel(indices, table):
  out_t = _embed(indices, table)
  return out_t.transpose(1, 0, 2)

# --- scband reference (transcript-rebuilt; emitter-appended) ---
"""Pipeline reference for scband-embedding-19756849561774 (READ-ONLY COPY).

The authoritative reference and input builder live on the scoring server;
editing this copy changes nothing except your own understanding.
"""

import jax, jax.numpy as jnp
import numpy as np

NUM_EMBEDDINGS = 1000000
EMBEDDING_DIM = 32

def setup_inputs(seed: int = 0) -> dict:
    key = jax.random.key(seed)
    k_idx, k_tab = jax.random.split(key)
    indices = jax.random.randint(k_idx, (16384, 50), 0, NUM_EMBEDDINGS, dtype=jnp.int64 if jax.config.jax_enable_x64 else jnp.int32)
    table = jax.random.normal(k_tab, (NUM_EMBEDDINGS, EMBEDDING_DIM), dtype=jnp.float32)
    return {"indices": indices, "table": table}

def reference(indices, table):
    # PyKEEN Embedding.forward: nn.Embedding lookup, then reshape to (*indices.shape, *self.shape)
    x = jnp.take(table, indices, axis=0)
    x = x.reshape(indices.shape + (EMBEDDING_DIM,))
    return x

if __name__ == "__main__":
    import jax
    _d = setup_inputs()
    print(jax.jit(kernel)(*tuple(_d.values())))

</pallas_src>

<mosaic_0001>
#map = affine_map<(d0, d1) -> (0, 0, 0, 0)>
#map1 = affine_map<(d0, d1) -> (0, 0)>
#map2 = affine_map<(d0, d1) -> (0, 0, 0)>
module attributes {stable_mosaic.version = 14 : i64} {
  func.func @_gather_body(%arg0: i32, %arg1: i32, %arg2: memref<50x32x4x128xi32, #tpu.memory_space<hbm>>, %arg3: memref<1000000x32xf32, #tpu.memory_space<hbm>>, %arg4: memref<50x16384x32xf32, #tpu.memory_space<hbm>>, %arg5: memref<4x128xi32, #tpu.memory_space<vmem>>, %arg6: memref<4x128xi32, #tpu.memory_space<vmem>>, %arg7: memref<512x32xf32, #tpu.memory_space<vmem>>, %arg8: memref<512x32xf32, #tpu.memory_space<vmem>>, %arg9: memref<!tpu.dma_semaphore, #tpu.memory_space<semaphore_mem>>, %arg10: memref<!tpu.dma_semaphore, #tpu.memory_space<semaphore_mem>>, %arg11: memref<!tpu.dma_semaphore, #tpu.memory_space<semaphore_mem>>, %arg12: memref<!tpu.dma_semaphore, #tpu.memory_space<semaphore_mem>>) attributes {dimension_semantics = [#tpu.dimension_semantics<core_parallel>, #tpu.dimension_semantics<subcore_parallel>], iteration_bounds = array<i64: 2, 16>, scalar_prefetch = 0 : i64, scratch_operands = 8 : i64, tpu.core_type = #tpu.core_type<sc_vector_subcore>, window_params = [{transform_indices = #map}, {transform_indices = #map1}, {transform_indices = #map2}]} {
    %mul3A = arith.constant 2 : i32
    %mul3A_0 = arith.muli %arg1, %mul3A : i32
    %add3A = arith.addi %mul3A_0, %arg0 : i32
    %mul3A_1 = arith.constant 512 : i32
    %mul3A_2 = arith.muli %add3A, %mul3A_1 : i32
    %run_scoped3A = arith.constant 0 : i32
    "tpu.region"() ({
      %run_scoped3A_291 = tpu.sem_alloc : memref<!tpu.dma_semaphore, #tpu.memory_space<semaphore_mem>>
      %dma_start3A_292 = arith.constant 0 : i32
      %dma_start3A_293 = arith.constant 0 : i32
      %dma_start3A_294 = tpu.memref_slice %arg2[%run_scoped3A, %add3A, %dma_start3A_292, %dma_start3A_293] : memref<50x32x4x128xi32, #tpu.memory_space<hbm>> -> memref<1x1x4x128xi32, #tpu.memory_space<hbm>>
      %dma_start3A_295 = tpu.memref_squeeze %dma_start3A_294 : memref<1x1x4x128xi32, #tpu.memory_space<hbm>> -> memref<4x128xi32, #tpu.memory_space<hbm>>
      %dma_start3A_296 = arith.constant 0 : i32
      %dma_start3A_297 = arith.constant 0 : i32
      %dma_start3A_298 = tpu.memref_slice %arg2[%run_scoped3A, %add3A, %dma_start3A_296, %dma_start3A_297] : memref<50x32x4x128xi32, #tpu.memory_space<hbm>> -> memref<1x1x4x128xi32, #tpu.memory_space<hbm>>
      %dma_start3A_299 = tpu.memref_squeeze %dma_start3A_298 : memref<1x1x4x128xi32, #tpu.memory_space<hbm>> -> memref<4x128xi32, #tpu.memory_space<hbm>>
      tpu.enqueue_dma source(%dma_start3A_299 : memref<4x128xi32, #tpu.memory_space<hbm>>) target(%arg5 : memref<4x128xi32, #tpu.memory_space<vmem>>) target_semaphore(%run_scoped3A_291 : memref<!tpu.dma_semaphore, #tpu.memory_space<semaphore_mem>>)
      %dma_wait3A_300 = arith.constant 0 : i32
      %dma_wait3A_301 = arith.constant 0 : i32
      %dma_wait3A_302 = tpu.memref_slice %arg2[%run_scoped3A, %add3A, %dma_wait3A_300, %dma_wait3A_301] : memref<50x32x4x128xi32, #tpu.memory_space<hbm>> -> memref<1x1x4x128xi32, #tpu.memory_space<hbm>>
      %dma_wait3A_303 = tpu.memref_squeeze %dma_wait3A_302 : memref<1x1x4x128xi32, #tpu.memory_space<hbm>> -> memref<4x128xi32, #tpu.memory_space<hbm>>
      %dma_wait3A_304 = arith.constant 0 : i32
      %dma_wait3A_305 = arith.constant 0 : i32
      %dma_wait3A_306 = tpu.memref_slice %arg2[%run_scoped3A, %add3A, %dma_wait3A_304, %dma_wait3A_305] : memref<50x32x4x128xi32, #tpu.memory_space<hbm>> -> memref<1x1x4x128xi32, #tpu.memory_space<hbm>>
      %dma_wait3A_307 = tpu.memref_squeeze %dma_wait3A_306 : memref<1x1x4x128xi32, #tpu.memory_space<hbm>> -> memref<4x128xi32, #tpu.memory_space<hbm>>
      tpu.wait_dma2 semaphore(%run_scoped3A_291 : memref<!tpu.dma_semaphore, #tpu.memory_space<semaphore_mem>>) src(%dma_wait3A_307 : memref<4x128xi32, #tpu.memory_space<hbm>>) dst(%arg5 : memref<4x128xi32, #tpu.memory_space<vmem>>)
      tpu.yield
    }) : () -> ()
    %dma_start3A = arith.constant 0 : i32
    %dma_start3A_3 = arith.constant 0 : i32
    %dma_start3A_4 = arith.constant 0 : i32
    %dma_start3A_5 = tpu.memref_slice %arg7[%dma_start3A_3, %dma_start3A_4] : memref<512x32xf32, #tpu.memory_space<vmem>> -> memref<128x32xf32, #tpu.memory_space<vmem>>
    %dma_start3A_6 = arith.constant 0 : i32
    %dma_start3A_7 = tpu.memref_slice %arg5[%dma_start3A, %dma_start3A_6] : memref<4x128xi32, #tpu.memory_space<vmem>> -> memref<1x128xi32, #tpu.memory_space<vmem>>
    %dma_start3A_8 = tpu.memref_squeeze %dma_start3A_7 : memref<1x128xi32, #tpu.memory_space<vmem>> -> memref<128xi32, #tpu.memory_space<vmem>>
    %dma_start3A_9 = arith.constant 0 : i32
    %dma_start3A_10 = arith.constant 0 : i32
    %dma_start3A_11 = tpu.memref_slice %arg3[%dma_start3A_9, %dma_start3A_10] : memref<1000000x32xf32, #tpu.memory_space<hbm>> -> memref<1000000x32xf32, #tpu.memory_space<hbm>>
    tpu.enqueue_indirect_dma source(%dma_start3A_11 : memref<1000000x32xf32, #tpu.memory_space<hbm>>) target(%dma_start3A_5 : memref<128x32xf32, #tpu.memory_space<vmem>>) offsets(%dma_start3A_8 : memref<128xi32, #tpu.memory_space<vmem>>) semaphore(%arg9 : memref<!tpu.dma_semaphore, #tpu.memory_space<semaphore_mem>>)
    %dma_start3A_12 = arith.constant 1 : i32
    %dma_start3A_13 = arith.constant 128 : i32
    %dma_start3A_14 = arith.constant 0 : i32
    %dma_start3A_15 = tpu.memref_slice %arg7[%dma_start3A_13, %dma_start3A_14] : memref<512x32xf32, #tpu.memory_space<vmem>> -> memref<128x32xf32, #tpu.memory_space<vmem>>
    %dma_start3A_16 = arith.constant 0 : i32
    %dma_start3A_17 = tpu.memref_slice %arg5[%dma_start3A_12, %dma_start3A_16] : memref<4x128xi32, #tpu.memory_space<vmem>> -> memref<1x128xi32, #tpu.memory_space<vmem>>
    %dma_start3A_18 = tpu.memref_squeeze %dma_start3A_17 : memref<1x128xi32, #tpu.memory_space<vmem>> -> memref<128xi32, #tpu.memory_space<vmem>>
    %dma_start3A_19 = arith.constant 0 : i32
    %dma_start3A_20 = arith.constant 0 : i32
    %dma_start3A_21 = tpu.memref_slice %arg3[%dma_start3A_19, %dma_start3A_20] : memref<1000000x32xf32, #tpu.memory_space<hbm>> -> memref<1000000x32xf32, #tpu.memory_space<hbm>>
    tpu.enqueue_indirect_dma source(%dma_start3A_21 : memref<1000000x32xf32, #tpu.memory_space<hbm>>) target(%dma_start3A_15 : memref<128x32xf32, #tpu.memory_space<vmem>>) offsets(%dma_start3A_18 : memref<128xi32, #tpu.memory_space<vmem>>) semaphore(%arg9 : memref<!tpu.dma_semaphore, #tpu.memory_space<semaphore_mem>>)
    %dma_start3A_22 = arith.constant 2 : i32
    %dma_start3A_23 = arith.constant 256 : i32
    %dma_start3A_24 = arith.constant 0 : i32
    %dma_start3A_25 = tpu.memref_slice %arg7[%dma_start3A_23, %dma_start3A_24] : memref<512x32xf32, #tpu.memory_space<vmem>> -> memref<128x32xf32, #tpu.memory_space<vmem>>
    %dma_start3A_26 = arith.constant 0 : i32
    %dma_start3A_27 = tpu.memref_slice %arg5[%dma_start3A_22, %dma_start3A_26] : memref<4x128xi32, #tpu.memory_space<vmem>> -> memref<1x128xi32, #tpu.memory_space<vmem>>
    %dma_start3A_28 = tpu.memref_squeeze %dma_start3A_27 : memref<1x128xi32, #tpu.memory_space<vmem>> -> memref<128xi32, #tpu.memory_space<vmem>>
    %dma_start3A_29 = arith.constant 0 : i32
    %dma_start3A_30 = arith.constant 0 : i32
    %dma_start3A_31 = tpu.memref_slice %arg3[%dma_start3A_29, %dma_start3A_30] : memref<1000000x32xf32, #tpu.memory_space<hbm>> -> memref<1000000x32xf32, #tpu.memory_space<hbm>>
    tpu.enqueue_indirect_dma source(%dma_start3A_31 : memref<1000000x32xf32, #tpu.memory_space<hbm>>) target(%dma_start3A_25 : memref<128x32xf32, #tpu.memory_space<vmem>>) offsets(%dma_start3A_28 : memref<128xi32, #tpu.memory_space<vmem>>) semaphore(%arg9 : memref<!tpu.dma_semaphore, #tpu.memory_space<semaphore_mem>>)
    %dma_start3A_32 = arith.constant 3 : i32
    %dma_start3A_33 = arith.constant 384 : i32
    %dma_start3A_34 = arith.constant 0 : i32
    %dma_start3A_35 = tpu.memref_slice %arg7[%dma_start3A_33, %dma_start3A_34] : memref<512x32xf32, #tpu.memory_space<vmem>> -> memref<128x32xf32, #tpu.memory_space<vmem>>
    %dma_start3A_36 = arith.constant 0 : i32
    %dma_start3A_37 = tpu.memref_slice %arg5[%dma_start3A_32, %dma_start3A_36] : memref<4x128xi32, #tpu.memory_space<vmem>> -> memref<1x128xi32, #tpu.memory_space<vmem>>
    %dma_start3A_38 = tpu.memref_squeeze %dma_start3A_37 : memref<1x128xi32, #tpu.memory_space<vmem>> -> memref<128xi32, #tpu.memory_space<vmem>>
    %dma_start3A_39 = arith.constant 0 : i32
    %dma_start3A_40 = arith.constant 0 : i32
    %dma_start3A_41 = tpu.memref_slice %arg3[%dma_start3A_39, %dma_start3A_40] : memref<1000000x32xf32, #tpu.memory_space<hbm>> -> memref<1000000x32xf32, #tpu.memory_space<hbm>>
    tpu.enqueue_indirect_dma source(%dma_start3A_41 : memref<1000000x32xf32, #tpu.memory_space<hbm>>) target(%dma_start3A_35 : memref<128x32xf32, #tpu.memory_space<vmem>>) offsets(%dma_start3A_38 : memref<128xi32, #tpu.memory_space<vmem>>) semaphore(%arg9 : memref<!tpu.dma_semaphore, #tpu.memory_space<semaphore_mem>>)
    %run_scoped3A_42 = arith.constant 1 : i32
    "tpu.region"() ({
      %run_scoped3A_291 = tpu.sem_alloc : memref<!tpu.dma_semaphore, #tpu.memory_space<semaphore_mem>>
      %dma_start3A_292 = arith.constant 0 : i32
      %dma_start3A_293 = arith.constant 0 : i32
      %dma_start3A_294 = tpu.memref_slice %arg2[%run_scoped3A_42, %add3A, %dma_start3A_292, %dma_start3A_293] : memref<50x32x4x128xi32, #tpu.memory_space<hbm>> -> memref<1x1x4x128xi32, #tpu.memory_space<hbm>>
      %dma_start3A_295 = tpu.memref_squeeze %dma_start3A_294 : memref<1x1x4x128xi32, #tpu.memory_space<hbm>> -> memref<4x128xi32, #tpu.memory_space<hbm>>
      %dma_start3A_296 = arith.constant 0 : i32
      %dma_start3A_297 = arith.constant 0 : i32
      %dma_start3A_298 = tpu.memref_slice %arg2[%run_scoped3A_42, %add3A, %dma_start3A_296, %dma_start3A_297] : memref<50x32x4x128xi32, #tpu.memory_space<hbm>> -> memref<1x1x4x128xi32, #tpu.memory_space<hbm>>
      %dma_start3A_299 = tpu.memref_squeeze %dma_start3A_298 : memref<1x1x4x128xi32, #tpu.memory_space<hbm>> -> memref<4x128xi32, #tpu.memory_space<hbm>>
      tpu.enqueue_dma source(%dma_start3A_299 : memref<4x128xi32, #tpu.memory_space<hbm>>) target(%arg6 : memref<4x128xi32, #tpu.memory_space<vmem>>) target_semaphore(%run_scoped3A_291 : memref<!tpu.dma_semaphore, #tpu.memory_space<semaphore_mem>>)
      %dma_wait3A_300 = arith.constant 0 : i32
      %dma_wait3A_301 = arith.constant 0 : i32
      %dma_wait3A_302 = tpu.memref_slice %arg2[%run_scoped3A_42, %add3A, %dma_wait3A_300, %dma_wait3A_301] : memref<50x32x4x128xi32, #tpu.memory_space<hbm>> -> memref<1x1x4x128xi32, #tpu.memory_space<hbm>>
      %dma_wait3A_303 = tpu.memref_squeeze %dma_wait3A_302 : memref<1x1x4x128xi32, #tpu.memory_space<hbm>> -> memref<4x128xi32, #tpu.memory_space<hbm>>
      %dma_wait3A_304 = arith.constant 0 : i32
      %dma_wait3A_305 = arith.constant 0 : i32
      %dma_wait3A_306 = tpu.memref_slice %arg2[%run_scoped3A_42, %add3A, %dma_wait3A_304, %dma_wait3A_305] : memref<50x32x4x128xi32, #tpu.memory_space<hbm>> -> memref<1x1x4x128xi32, #tpu.memory_space<hbm>>
      %dma_wait3A_307 = tpu.memref_squeeze %dma_wait3A_306 : memref<1x1x4x128xi32, #tpu.memory_space<hbm>> -> memref<4x128xi32, #tpu.memory_space<hbm>>
      tpu.wait_dma2 semaphore(%run_scoped3A_291 : memref<!tpu.dma_semaphore, #tpu.memory_space<semaphore_mem>>) src(%dma_wait3A_307 : memref<4x128xi32, #tpu.memory_space<hbm>>) dst(%arg6 : memref<4x128xi32, #tpu.memory_space<vmem>>)
      tpu.yield
    }) : () -> ()
    %dma_start3A_43 = arith.constant 0 : i32
    %dma_start3A_44 = arith.constant 0 : i32
    %dma_start3A_45 = arith.constant 0 : i32
    %dma_start3A_46 = tpu.memref_slice %arg8[%dma_start3A_44, %dma_start3A_45] : memref<512x32xf32, #tpu.memory_space<vmem>> -> memref<128x32xf32, #tpu.memory_space<vmem>>
    %dma_start3A_47 = arith.constant 0 : i32
    %dma_start3A_48 = tpu.memref_slice %arg6[%dma_start3A_43, %dma_start3A_47] : memref<4x128xi32, #tpu.memory_space<vmem>> -> memref<1x128xi32, #tpu.memory_space<vmem>>
    %dma_start3A_49 = tpu.memref_squeeze %dma_start3A_48 : memref<1x128xi32, #tpu.memory_space<vmem>> -> memref<128xi32, #tpu.memory_space<vmem>>
    %dma_start3A_50 = arith.constant 0 : i32
    %dma_start3A_51 = arith.constant 0 : i32
    %dma_start3A_52 = tpu.memref_slice %arg3[%dma_start3A_50, %dma_start3A_51] : memref<1000000x32xf32, #tpu.memory_space<hbm>> -> memref<1000000x32xf32, #tpu.memory_space<hbm>>
    tpu.enqueue_indirect_dma source(%dma_start3A_52 : memref<1000000x32xf32, #tpu.memory_space<hbm>>) target(%dma_start3A_46 : memref<128x32xf32, #tpu.memory_space<vmem>>) offsets(%dma_start3A_49 : memref<128xi32, #tpu.memory_space<vmem>>) semaphore(%arg10 : memref<!tpu.dma_semaphore, #tpu.memory_space<semaphore_mem>>)
    %dma_start3A_53 = arith.constant 1 : i32
    %dma_start3A_54 = arith.constant 128 : i32
    %dma_start3A_55 = arith.constant 0 : i32
    %dma_start3A_56 = tpu.memref_slice %arg8[%dma_start3A_54, %dma_start3A_55] : memref<512x32xf32, #tpu.memory_space<vmem>> -> memref<128x32xf32, #tpu.memory_space<vmem>>
    %dma_start3A_57 = arith.constant 0 : i32
    %dma_start3A_58 = tpu.memref_slice %arg6[%dma_start3A_53, %dma_start3A_57] : memref<4x128xi32, #tpu.memory_space<vmem>> -> memref<1x128xi32, #tpu.memory_space<vmem>>
    %dma_start3A_59 = tpu.memref_squeeze %dma_start3A_58 : memref<1x128xi32, #tpu.memory_space<vmem>> -> memref<128xi32, #tpu.memory_space<vmem>>
    %dma_start3A_60 = arith.constant 0 : i32
    %dma_start3A_61 = arith.constant 0 : i32
    %dma_start3A_62 = tpu.memref_slice %arg3[%dma_start3A_60, %dma_start3A_61] : memref<1000000x32xf32, #tpu.memory_space<hbm>> -> memref<1000000x32xf32, #tpu.memory_space<hbm>>
    tpu.enqueue_indirect_dma source(%dma_start3A_62 : memref<1000000x32xf32, #tpu.memory_space<hbm>>) target(%dma_start3A_56 : memref<128x32xf32, #tpu.memory_space<vmem>>) offsets(%dma_start3A_59 : memref<128xi32, #tpu.memory_space<vmem>>) semaphore(%arg10 : memref<!tpu.dma_semaphore, #tpu.memory_space<semaphore_mem>>)
    %dma_start3A_63 = arith.constant 2 : i32
    %dma_start3A_64 = arith.constant 256 : i32
    %dma_start3A_65 = arith.constant 0 : i32
    %dma_start3A_66 = tpu.memref_slice %arg8[%dma_start3A_64, %dma_start3A_65] : memref<512x32xf32, #tpu.memory_space<vmem>> -> memref<128x32xf32, #tpu.memory_space<vmem>>
    %dma_start3A_67 = arith.constant 0 : i32
    %dma_start3A_68 = tpu.memref_slice %arg6[%dma_start3A_63, %dma_start3A_67] : memref<4x128xi32, #tpu.memory_space<vmem>> -> memref<1x128xi32, #tpu.memory_space<vmem>>
    %dma_start3A_69 = tpu.memref_squeeze %dma_start3A_68 : memref<1x128xi32, #tpu.memory_space<vmem>> -> memref<128xi32, #tpu.memory_space<vmem>>
    %dma_start3A_70 = arith.constant 0 : i32
    %dma_start3A_71 = arith.constant 0 : i32
    %dma_start3A_72 = tpu.memref_slice %arg3[%dma_start3A_70, %dma_start3A_71] : memref<1000000x32xf32, #tpu.memory_space<hbm>> -> memref<1000000x32xf32, #tpu.memory_space<hbm>>
    tpu.enqueue_indirect_dma source(%dma_start3A_72 : memref<1000000x32xf32, #tpu.memory_space<hbm>>) target(%dma_start3A_66 : memref<128x32xf32, #tpu.memory_space<vmem>>) offsets(%dma_start3A_69 : memref<128xi32, #tpu.memory_space<vmem>>) semaphore(%arg10 : memref<!tpu.dma_semaphore, #tpu.memory_space<semaphore_mem>>)
    %dma_start3A_73 = arith.constant 3 : i32
    %dma_start3A_74 = arith.constant 384 : i32
    %dma_start3A_75 = arith.constant 0 : i32
    %dma_start3A_76 = tpu.memref_slice %arg8[%dma_start3A_74, %dma_start3A_75] : memref<512x32xf32, #tpu.memory_space<vmem>> -> memref<128x32xf32, #tpu.memory_space<vmem>>
    %dma_start3A_77 = arith.constant 0 : i32
    %dma_start3A_78 = tpu.memref_slice %arg6[%dma_start3A_73, %dma_start3A_77] : memref<4x128xi32, #tpu.memory_space<vmem>> -> memref<1x128xi32, #tpu.memory_space<vmem>>
    %dma_start3A_79 = tpu.memref_squeeze %dma_start3A_78 : memref<1x128xi32, #tpu.memory_space<vmem>> -> memref<128xi32, #tpu.memory_space<vmem>>
    %dma_start3A_80 = arith.constant 0 : i32
    %dma_start3A_81 = arith.constant 0 : i32
    %dma_start3A_82 = tpu.memref_slice %arg3[%dma_start3A_80, %dma_start3A_81] : memref<1000000x32xf32, #tpu.memory_space<hbm>> -> memref<1000000x32xf32, #tpu.memory_space<hbm>>
    tpu.enqueue_indirect_dma source(%dma_start3A_82 : memref<1000000x32xf32, #tpu.memory_space<hbm>>) target(%dma_start3A_76 : memref<128x32xf32, #tpu.memory_space<vmem>>) offsets(%dma_start3A_79 : memref<128xi32, #tpu.memory_space<vmem>>) semaphore(%arg10 : memref<!tpu.dma_semaphore, #tpu.memory_space<semaphore_mem>>)
    %dma_wait3A = arith.constant 0 : i32
    %dma_wait3A_83 = arith.constant 0 : i32
    %dma_wait3A_84 = arith.constant 0 : i32
    %dma_wait3A_85 = tpu.memref_slice %arg7[%dma_wait3A_83, %dma_wait3A_84] : memref<512x32xf32, #tpu.memory_space<vmem>> -> memref<128x32xf32, #tpu.memory_space<vmem>>
    %dma_wait3A_86 = arith.constant 0 : i32
    %dma_wait3A_87 = tpu.memref_slice %arg5[%dma_wait3A, %dma_wait3A_86] : memref<4x128xi32, #tpu.memory_space<vmem>> -> memref<1x128xi32, #tpu.memory_space<vmem>>
    %dma_wait3A_88 = tpu.memref_squeeze %dma_wait3A_87 : memref<1x128xi32, #tpu.memory_space<vmem>> -> memref<128xi32, #tpu.memory_space<vmem>>
    %dma_wait3A_89 = arith.constant 0 : i32
    %dma_wait3A_90 = arith.constant 0 : i32
    %dma_wait3A_91 = tpu.memref_slice %arg3[%dma_wait3A_89, %dma_wait3A_90] : memref<1000000x32xf32, #tpu.memory_space<hbm>> -> memref<1000000x32xf32, #tpu.memory_space<hbm>>
    tpu.wait_indirect_dma semaphore(%arg9 : memref<!tpu.dma_semaphore, #tpu.memory_space<semaphore_mem>>) src(%dma_wait3A_91 : memref<1000000x32xf32, #tpu.memory_space<hbm>>) dst(%dma_wait3A_85 : memref<128x32xf32, #tpu.memory_space<vmem>>)
    %dma_wait3A_92 = arith.constant 1 : i32
    %dma_wait3A_93 = arith.constant 128 : i32
    %dma_wait3A_94 = arith.constant 0 : i32
    %dma_wait3A_95 = tpu.memref_slice %arg7[%dma_wait3A_93, %dma_wait3A_94] : memref<512x32xf32, #tpu.memory_space<vmem>> -> memref<128x32xf32, #tpu.memory_space<vmem>>
    %dma_wait3A_96 = arith.constant 0 : i32
    %dma_wait3A_97 = tpu.memref_slice %arg5[%dma_wait3A_92, %dma_wait3A_96] : memref<4x128xi32, #tpu.memory_space<vmem>> -> memref<1x128xi32, #tpu.memory_space<vmem>>
    %dma_wait3A_98 = tpu.memref_squeeze %dma_wait3A_97 : memref<1x128xi32, #tpu.memory_space<vmem>> -> memref<128xi32, #tpu.memory_space<vmem>>
    %dma_wait3A_99 = arith.constant 0 : i32
    %dma_wait3A_100 = arith.constant 0 : i32
    %dma_wait3A_101 = tpu.memref_slice %arg3[%dma_wait3A_99, %dma_wait3A_100] : memref<1000000x32xf32, #tpu.memory_space<hbm>> -> memref<1000000x32xf32, #tpu.memory_space<hbm>>
    tpu.wait_indirect_dma semaphore(%arg9 : memref<!tpu.dma_semaphore, #tpu.memory_space<semaphore_mem>>) src(%dma_wait3A_101 : memref<1000000x32xf32, #tpu.memory_space<hbm>>) dst(%dma_wait3A_95 : memref<128x32xf32, #tpu.memory_space<vmem>>)
    %dma_wait3A_102 = arith.constant 2 : i32
    %dma_wait3A_103 = arith.constant 256 : i32
    %dma_wait3A_104 = arith.constant 0 : i32
    %dma_wait3A_105 = tpu.memref_slice %arg7[%dma_wait3A_103, %dma_wait3A_104] : memref<512x32xf32, #tpu.memory_space<vmem>> -> memref<128x32xf32, #tpu.memory_space<vmem>>
    %dma_wait3A_106 = arith.constant 0 : i32
    %dma_wait3A_107 = tpu.memref_slice %arg5[%dma_wait3A_102, %dma_wait3A_106] : memref<4x128xi32, #tpu.memory_space<vmem>> -> memref<1x128xi32, #tpu.memory_space<vmem>>
    %dma_wait3A_108 = tpu.memref_squeeze %dma_wait3A_107 : memref<1x128xi32, #tpu.memory_space<vmem>> -> memref<128xi32, #tpu.memory_space<vmem>>
    %dma_wait3A_109 = arith.constant 0 : i32
    %dma_wait3A_110 = arith.constant 0 : i32
    %dma_wait3A_111 = tpu.memref_slice %arg3[%dma_wait3A_109, %dma_wait3A_110] : memref<1000000x32xf32, #tpu.memory_space<hbm>> -> memref<1000000x32xf32, #tpu.memory_space<hbm>>
    tpu.wait_indirect_dma semaphore(%arg9 : memref<!tpu.dma_semaphore, #tpu.memory_space<semaphore_mem>>) src(%dma_wait3A_111 : memref<1000000x32xf32, #tpu.memory_space<hbm>>) dst(%dma_wait3A_105 : memref<128x32xf32, #tpu.memory_space<vmem>>)
    %dma_wait3A_112 = arith.constant 3 : i32
    %dma_wait3A_113 = arith.constant 384 : i32
    %dma_wait3A_114 = arith.constant 0 : i32
    %dma_wait3A_115 = tpu.memref_slice %arg7[%dma_wait3A_113, %dma_wait3A_114] : memref<512x32xf32, #tpu.memory_space<vmem>> -> memref<128x32xf32, #tpu.memory_space<vmem>>
    %dma_wait3A_116 = arith.constant 0 : i32
    %dma_wait3A_117 = tpu.memref_slice %arg5[%dma_wait3A_112, %dma_wait3A_116] : memref<4x128xi32, #tpu.memory_space<vmem>> -> memref<1x128xi32, #tpu.memory_space<vmem>>
    %dma_wait3A_118 = tpu.memref_squeeze %dma_wait3A_117 : memref<1x128xi32, #tpu.memory_space<vmem>> -> memref<128xi32, #tpu.memory_space<vmem>>
    %dma_wait3A_119 = arith.constant 0 : i32
    %dma_wait3A_120 = arith.constant 0 : i32
    %dma_wait3A_121 = tpu.memref_slice %arg3[%dma_wait3A_119, %dma_wait3A_120] : memref<1000000x32xf32, #tpu.memory_space<hbm>> -> memref<1000000x32xf32, #tpu.memory_space<hbm>>
    tpu.wait_indirect_dma semaphore(%arg9 : memref<!tpu.dma_semaphore, #tpu.memory_space<semaphore_mem>>) src(%dma_wait3A_121 : memref<1000000x32xf32, #tpu.memory_space<hbm>>) dst(%dma_wait3A_115 : memref<128x32xf32, #tpu.memory_space<vmem>>)
    %dma_start3A_122 = arith.constant 0 : i32
    %dma_start3A_123 = arith.constant 0 : i32
    %dma_start3A_124 = tpu.memref_slice %arg4[%dma_start3A_122, %mul3A_2, %dma_start3A_123] : memref<50x16384x32xf32, #tpu.memory_space<hbm>> -> memref<1x512x32xf32, #tpu.memory_space<hbm>>
    %dma_start3A_125 = tpu.memref_squeeze %dma_start3A_124 : memref<1x512x32xf32, #tpu.memory_space<hbm>> -> memref<512x32xf32, #tpu.memory_space<hbm>>
    %dma_start3A_126 = arith.constant 0 : i32
    %dma_start3A_127 = tpu.memref_slice %arg4[%dma_start3A_122, %mul3A_2, %dma_start3A_126] : memref<50x16384x32xf32, #tpu.memory_space<hbm>> -> memref<1x512x32xf32, #tpu.memory_space<hbm>>
    %dma_start3A_128 = tpu.memref_squeeze %dma_start3A_127 : memref<1x512x32xf32, #tpu.memory_space<hbm>> -> memref<512x32xf32, #tpu.memory_space<hbm>>
    tpu.enqueue_dma source(%arg7 : memref<512x32xf32, #tpu.memory_space<vmem>>) target(%dma_start3A_128 : memref<512x32xf32, #tpu.memory_space<hbm>>) target_semaphore(%arg11 : memref<!tpu.dma_semaphore, #tpu.memory_space<semaphore_mem>>)
    %dma_wait3A_129 = arith.constant 0 : i32
    %dma_wait3A_130 = arith.constant 0 : i32
    %dma_wait3A_131 = tpu.memref_slice %arg4[%dma_wait3A_129, %mul3A_2, %dma_wait3A_130] : memref<50x16384x32xf32, #tpu.memory_space<hbm>> -> memref<1x512x32xf32, #tpu.memory_space<hbm>>
    %dma_wait3A_132 = tpu.memref_squeeze %dma_wait3A_131 : memref<1x512x32xf32, #tpu.memory_space<hbm>> -> memref<512x32xf32, #tpu.memory_space<hbm>>
    %dma_wait3A_133 = arith.constant 0 : i32
    %dma_wait3A_134 = tpu.memref_slice %arg4[%dma_wait3A_129, %mul3A_2, %dma_wait3A_133] : memref<50x16384x32xf32, #tpu.memory_space<hbm>> -> memref<1x512x32xf32, #tpu.memory_space<hbm>>
    %dma_wait3A_135 = tpu.memref_squeeze %dma_wait3A_134 : memref<1x512x32xf32, #tpu.memory_space<hbm>> -> memref<512x32xf32, #tpu.memory_space<hbm>>
    tpu.wait_dma2 semaphore(%arg11 : memref<!tpu.dma_semaphore, #tpu.memory_space<semaphore_mem>>) src(%arg7 : memref<512x32xf32, #tpu.memory_space<vmem>>) dst(%dma_wait3A_135 : memref<512x32xf32, #tpu.memory_space<hbm>>)
    %run_scoped3A_136 = arith.constant 2 : i32
    "tpu.region"() ({
      %run_scoped3A_291 = tpu.sem_alloc : memref<!tpu.dma_semaphore, #tpu.memory_space<semaphore_mem>>
      %dma_start3A_292 = arith.constant 0 : i32
      %dma_start3A_293 = arith.constant 0 : i32
      %dma_start3A_294 = tpu.memref_slice %arg2[%run_scoped3A_136, %add3A, %dma_start3A_292, %dma_start3A_293] : memref<50x32x4x128xi32, #tpu.memory_space<hbm>> -> memref<1x1x4x128xi32, #tpu.memory_space<hbm>>
      %dma_start3A_295 = tpu.memref_squeeze %dma_start3A_294 : memref<1x1x4x128xi32, #tpu.memory_space<hbm>> -> memref<4x128xi32, #tpu.memory_space<hbm>>
      %dma_start3A_296 = arith.constant 0 : i32
      %dma_start3A_297 = arith.constant 0 : i32
      %dma_start3A_298 = tpu.memref_slice %arg2[%run_scoped3A_136, %add3A, %dma_start3A_296, %dma_start3A_297] : memref<50x32x4x128xi32, #tpu.memory_space<hbm>> -> memref<1x1x4x128xi32, #tpu.memory_space<hbm>>
      %dma_start3A_299 = tpu.memref_squeeze %dma_start3A_298 : memref<1x1x4x128xi32, #tpu.memory_space<hbm>> -> memref<4x128xi32, #tpu.memory_space<hbm>>
      tpu.enqueue_dma source(%dma_start3A_299 : memref<4x128xi32, #tpu.memory_space<hbm>>) target(%arg5 : memref<4x128xi32, #tpu.memory_space<vmem>>) target_semaphore(%run_scoped3A_291 : memref<!tpu.dma_semaphore, #tpu.memory_space<semaphore_mem>>)
      %dma_wait3A_300 = arith.constant 0 : i32
      %dma_wait3A_301 = arith.constant 0 : i32
      %dma_wait3A_302 = tpu.memref_slice %arg2[%run_scoped3A_136, %add3A, %dma_wait3A_300, %dma_wait3A_301] : memref<50x32x4x128xi32, #tpu.memory_space<hbm>> -> memref<1x1x4x128xi32, #tpu.memory_space<hbm>>
      %dma_wait3A_303 = tpu.memref_squeeze %dma_wait3A_302 : memref<1x1x4x128xi32, #tpu.memory_space<hbm>> -> memref<4x128xi32, #tpu.memory_space<hbm>>
      %dma_wait3A_304 = arith.constant 0 : i32
      %dma_wait3A_305 = arith.constant 0 : i32
      %dma_wait3A_306 = tpu.memref_slice %arg2[%run_scoped3A_136, %add3A, %dma_wait3A_304, %dma_wait3A_305] : memref<50x32x4x128xi32, #tpu.memory_space<hbm>> -> memref<1x1x4x128xi32, #tpu.memory_space<hbm>>
      %dma_wait3A_307 = tpu.memref_squeeze %dma_wait3A_306 : memref<1x1x4x128xi32, #tpu.memory_space<hbm>> -> memref<4x128xi32, #tpu.memory_space<hbm>>
      tpu.wait_dma2 semaphore(%run_scoped3A_291 : memref<!tpu.dma_semaphore, #tpu.memory_space<semaphore_mem>>) src(%dma_wait3A_307 : memref<4x128xi32, #tpu.memory_space<hbm>>) dst(%arg5 : memref<4x128xi32, #tpu.memory_space<vmem>>)
      tpu.yield
    }) : () -> ()
    %dma_start3A_137 = arith.constant 0 : i32
    %dma_start3A_138 = arith.constant 0 : i32
    %dma_start3A_139 = arith.constant 0 : i32
    %dma_start3A_140 = tpu.memref_slice %arg7[%dma_start3A_138, %dma_start3A_139] : memref<512x32xf32, #tpu.memory_space<vmem>> -> memref<128x32xf32, #tpu.memory_space<vmem>>
    %dma_start3A_141 = arith.constant 0 : i32
    %dma_start3A_142 = tpu.memref_slice %arg5[%dma_start3A_137, %dma_start3A_141] : memref<4x128xi32, #tpu.memory_space<vmem>> -> memref<1x128xi32, #tpu.memory_space<vmem>>
    %dma_start3A_143 = tpu.memref_squeeze %dma_start3A_142 : memref<1x128xi32, #tpu.memory_space<vmem>> -> memref<128xi32, #tpu.memory_space<vmem>>
    %dma_start3A_144 = arith.constant 0 : i32
    %dma_start3A_145 = arith.constant 0 : i32
    %dma_start3A_146 = tpu.memref_slice %arg3[%dma_start3A_144, %dma_start3A_145] : memref<1000000x32xf32, #tpu.memory_space<hbm>> -> memref<1000000x32xf32, #tpu.memory_space<hbm>>
    tpu.enqueue_indirect_dma source(%dma_start3A_146 : memref<1000000x32xf32, #tpu.memory_space<hbm>>) target(%dma_start3A_140 : memref<128x32xf32, #tpu.memory_space<vmem>>) offsets(%dma_start3A_143 : memref<128xi32, #tpu.memory_space<vmem>>) semaphore(%arg9 : memref<!tpu.dma_semaphore, #tpu.memory_space<semaphore_mem>>)
    %dma_start3A_147 = arith.constant 1 : i32
    %dma_start3A_148 = arith.constant 128 : i32
    %dma_start3A_149 = arith.constant 0 : i32
    %dma_start3A_150 = tpu.memref_slice %arg7[%dma_start3A_148, %dma_start3A_149] : memref<512x32xf32, #tpu.memory_space<vmem>> -> memref<128x32xf32, #tpu.memory_space<vmem>>
    %dma_start3A_151 = arith.constant 0 : i32
    %dma_start3A_152 = tpu.memref_slice %arg5[%dma_start3A_147, %dma_start3A_151] : memref<4x128xi32, #tpu.memory_space<vmem>> -> memref<1x128xi32, #tpu.memory_space<vmem>>
    %dma_start3A_153 = tpu.memref_squeeze %dma_start3A_152 : memref<1x128xi32, #tpu.memory_space<vmem>> -> memref<128xi32, #tpu.memory_space<vmem>>
    %dma_start3A_154 = arith.constant 0 : i32
    %dma_start3A_155 = arith.constant 0 : i32
    %dma_start3A_156 = tpu.memref_slice %arg3[%dma_start3A_154, %dma_start3A_155] : memref<1000000x32xf32, #tpu.memory_space<hbm>> -> memref<1000000x32xf32, #tpu.memory_space<hbm>>
    tpu.enqueue_indirect_dma source(%dma_start3A_156 : memref<1000000x32xf32, #tpu.memory_space<hbm>>) target(%dma_start3A_150 : memref<128x32xf32, #tpu.memory_space<vmem>>) offsets(%dma_start3A_153 : memref<128xi32, #tpu.memory_space<vmem>>) semaphore(%arg9 : memref<!tpu.dma_semaphore, #tpu.memory_space<semaphore_mem>>)
    %dma_start3A_157 = arith.constant 2 : i32
    %dma_start3A_158 = arith.constant 256 : i32
    %dma_start3A_159 = arith.constant 0 : i32
    %dma_start3A_160 = tpu.memref_slice %arg7[%dma_start3A_158, %dma_start3A_159] : memref<512x32xf32, #tpu.memory_space<vmem>> -> memref<128x32xf32, #tpu.memory_space<vmem>>
    %dma_start3A_161 = arith.constant 0 : i32
    %dma_start3A_162 = tpu.memref_slice %arg5[%dma_start3A_157, %dma_start3A_161] : memref<4x128xi32, #tpu.memory_space<vmem>> -> memref<1x128xi32, #tpu.memory_space<vmem>>
    %dma_start3A_163 = tpu.memref_squeeze %dma_start3A_162 : memref<1x128xi32, #tpu.memory_space<vmem>> -> memref<128xi32, #tpu.memory_space<vmem>>
    %dma_start3A_164 = arith.constant 0 : i32
    %dma_start3A_165 = arith.constant 0 : i32
    %dma_start3A_166 = tpu.memref_slice %arg3[%dma_start3A_164, %dma_start3A_165] : memref<1000000x32xf32, #tpu.memory_space<hbm>> -> memref<1000000x32xf32, #tpu.memory_space<hbm>>
    tpu.enqueue_indirect_dma source(%dma_start3A_166 : memref<1000000x32xf32, #tpu.memory_space<hbm>>) target(%dma_start3A_160 : memref<128x32xf32, #tpu.memory_space<vmem>>) offsets(%dma_start3A_163 : memref<128xi32, #tpu.memory_space<vmem>>) semaphore(%arg9 : memref<!tpu.dma_semaphore, #tpu.memory_space<semaphore_mem>>)
    %dma_start3A_167 = arith.constant 3 : i32
    %dma_start3A_168 = arith.constant 384 : i32
    %dma_start3A_169 = arith.constant 0 : i32
    %dma_start3A_170 = tpu.memref_slice %arg7[%dma_start3A_168, %dma_start3A_169] : memref<512x32xf32, #tpu.memory_space<vmem>> -> memref<128x32xf32, #tpu.memory_space<vmem>>
    %dma_start3A_171 = arith.constant 0 : i32
    %dma_start3A_172 = tpu.memref_slice %arg5[%dma_start3A_167, %dma_start3A_171] : memref<4x128xi32, #tpu.memory_space<vmem>> -> memref<1x128xi32, #tpu.memory_space<vmem>>
    %dma_start3A_173 = tpu.memref_squeeze %dma_start3A_172 : memref<1x128xi32, #tpu.memory_space<vmem>> -> memref<128xi32, #tpu.memory_space<vmem>>
    %dma_start3A_174 = arith.constant 0 : i32
    %dma_start3A_175 = arith.constant 0 : i32
    %dma_start3A_176 = tpu.memref_slice %arg3[%dma_start3A_174, %dma_start3A_175] : memref<1000000x32xf32, #tpu.memory_space<hbm>> -> memref<1000000x32xf32, #tpu.memory_space<hbm>>
    tpu.enqueue_indirect_dma source(%dma_start3A_176 : memref<1000000x32xf32, #tpu.memory_space<hbm>>) target(%dma_start3A_170 : memref<128x32xf32, #tpu.memory_space<vmem>>) offsets(%dma_start3A_173 : memref<128xi32, #tpu.memory_space<vmem>>) semaphore(%arg9 : memref<!tpu.dma_semaphore, #tpu.memory_space<semaphore_mem>>)
    %dma_wait3A_177 = arith.constant 0 : i32
    %dma_wait3A_178 = arith.constant 0 : i32
    %dma_wait3A_179 = arith.constant 0 : i32
    %dma_wait3A_180 = tpu.memref_slice %arg8[%dma_wait3A_178, %dma_wait3A_179] : memref<512x32xf32, #tpu.memory_space<vmem>> -> memref<128x32xf32, #tpu.memory_space<vmem>>
    %dma_wait3A_181 = arith.constant 0 : i32
    %dma_wait3A_182 = tpu.memref_slice %arg6[%dma_wait3A_177, %dma_wait3A_181] : memref<4x128xi32, #tpu.memory_space<vmem>> -> memref<1x128xi32, #tpu.memory_space<vmem>>
    %dma_wait3A_183 = tpu.memref_squeeze %dma_wait3A_182 : memref<1x128xi32, #tpu.memory_space<vmem>> -> memref<128xi32, #tpu.memory_space<vmem>>
    %dma_wait3A_184 = arith.constant 0 : i32
    %dma_wait3A_185 = arith.constant 0 : i32
    %dma_wait3A_186 = tpu.memref_slice %arg3[%dma_wait3A_184, %dma_wait3A_185] : memref<1000000x32xf32, #tpu.memory_space<hbm>> -> memref<1000000x32xf32, #tpu.memory_space<hbm>>
    tpu.wait_indirect_dma semaphore(%arg10 : memref<!tpu.dma_semaphore, #tpu.memory_space<semaphore_mem>>) src(%dma_wait3A_186 : memref<1000000x32xf32, #tpu.memory_space<hbm>>) dst(%dma_wait3A_180 : memref<128x32xf32, #tpu.memory_space<vmem>>)
    %dma_wait3A_187 = arith.constant 1 : i32
    %dma_wait3A_188 = arith.constant 128 : i32
    %dma_wait3A_189 = arith.constant 0 : i32
    %dma_wait3A_190 = tpu.memref_slice %arg8[%dma_wait3A_188, %dma_wait3A_189] : memref<512x32xf32, #tpu.memory_space<vmem>> -> memref<128x32xf32, #tpu.memory_space<vmem>>
    %dma_wait3A_191 = arith.constant 0 : i32
    %dma_wait3A_192 = tpu.memref_slice %arg6[%dma_wait3A_187, %dma_wait3A_191] : memref<4x128xi32, #tpu.memory_space<vmem>> -> memref<1x128xi32, #tpu.memory_space<vmem>>
    %dma_wait3A_193 = tpu.memref_squeeze %dma_wait3A_192 : memref<1x128xi32, #tpu.memory_space<vmem>> -> memref<128xi32, #tpu.memory_space<vmem>>
    %dma_wait3A_194 = arith.constant 0 : i32
    %dma_wait3A_195 = arith.constant 0 : i32
    %dma_wait3A_196 = tpu.memref_slice %arg3[%dma_wait3A_194, %dma_wait3A_195] : memref<1000000x32xf32, #tpu.memory_space<hbm>> -> memref<1000000x32xf32, #tpu.memory_space<hbm>>
    tpu.wait_indirect_dma semaphore(%arg10 : memref<!tpu.dma_semaphore, #tpu.memory_space<semaphore_mem>>) src(%dma_wait3A_196 : memref<1000000x32xf32, #tpu.memory_space<hbm>>) dst(%dma_wait3A_190 : memref<128x32xf32, #tpu.memory_space<vmem>>)
    %dma_wait3A_197 = arith.constant 2 : i32
    %dma_wait3A_198 = arith.constant 256 : i32
    %dma_wait3A_199 = arith.constant 0 : i32
    %dma_wait3A_200 = tpu.memref_slice %arg8[%dma_wait3A_198, %dma_wait3A_199] : memref<512x32xf32, #tpu.memory_space<vmem>> -> memref<128x32xf32, #tpu.memory_space<vmem>>
    %dma_wait3A_201 = arith.constant 0 : i32
    %dma_wait3A_202 = tpu.memref_slice %arg6[%dma_wait3A_197, %dma_wait3A_201] : memref<4x128xi32, #tpu.memory_space<vmem>> -> memref<1x128xi32, #tpu.memory_space<vmem>>
    %dma_wait3A_203 = tpu.memref_squeeze %dma_wait3A_202 : memref<1x128xi32, #tpu.memory_space<vmem>> -> memref<128xi32, #tpu.memory_space<vmem>>
    %dma_wait3A_204 = arith.constant 0 : i32
    %dma_wait3A_205 = arith.constant 0 : i32
    %dma_wait3A_206 = tpu.memref_slice %arg3[%dma_wait3A_204, %dma_wait3A_205] : memref<1000000x32xf32, #tpu.memory_space<hbm>> -> memref<1000000x32xf32, #tpu.memory_space<hbm>>
    tpu.wait_indirect_dma semaphore(%arg10 : memref<!tpu.dma_semaphore, #tpu.memory_space<semaphore_mem>>) src(%dma_wait3A_206 : memref<1000000x32xf32, #tpu.memory_space<hbm>>) dst(%dma_wait3A_200 : memref<128x32xf32, #tpu.memory_space<vmem>>)
    %dma_wait3A_207 = arith.constant 3 : i32
    %dma_wait3A_208 = arith.constant 384 : i32
    %dma_wait3A_209 = arith.constant 0 : i32
    %dma_wait3A_210 = tpu.memref_slice %arg8[%dma_wait3A_208, %dma_wait3A_209] : memref<512x32xf32, #tpu.memory_space<vmem>> -> memref<128x32xf32, #tpu.memory_space<vmem>>
    %dma_wait3A_211 = arith.constant 0 : i32
    %dma_wait3A_212 = tpu.memref_slice %arg6[%dma_wait3A_207, %dma_wait3A_211] : memref<4x128xi32, #tpu.memory_space<vmem>> -> memref<1x128xi32, #tpu.memory_space<vmem>>
    %dma_wait3A_213 = tpu.memref_squeeze %dma_wait3A_212 : memref<1x128xi32, #tpu.memory_space<vmem>> -> memref<128xi32, #tpu.memory_space<vmem>>
    %dma_wait3A_214 = arith.constant 0 : i32
    %dma_wait3A_215 = arith.constant 0 : i32
    %dma_wait3A_216 = tpu.memref_slice %arg3[%dma_wait3A_214, %dma_wait3A_215] : memref<1000000x32xf32, #tpu.memory_space<hbm>> -> memref<1000000x32xf32, #tpu.memory_space<hbm>>
    tpu.wait_indirect_dma semaphore(%arg10 : memref<!tpu.dma_semaphore, #tpu.memory_space<semaphore_mem>>) src(%dma_wait3A_216 : memref<1000000x32xf32, #tpu.memory_space<hbm>>) dst(%dma_wait3A_210 : memref<128x32xf32, #tpu.memory_space<vmem>>)
    %dma_start3A_217 = arith.constant 1 : i32
    %dma_start3A_218 = arith.constant 0 : i32
    %dma_start3A_219 = tpu.memref_slice %arg4[%dma_start3A_217, %mul3A_2, %dma_start3A_218] : memref<50x16384x32xf32, #tpu.memory_space<hbm>> -> memref<1x512x32xf32, #tpu.memory_space<hbm>>
    %dma_start3A_220 = tpu.memref_squeeze %dma_start3A_219 : memref<1x512x32xf32, #tpu.memory_space<hbm>> -> memref<512x32xf32, #tpu.memory_space<hbm>>
    %dma_start3A_221 = arith.constant 0 : i32
    %dma_start3A_222 = tpu.memref_slice %arg4[%dma_start3A_217, %mul3A_2, %dma_start3A_221] : memref<50x16384x32xf32, #tpu.memory_space<hbm>> -> memref<1x512x32xf32, #tpu.memory_space<hbm>>
    %dma_start3A_223 = tpu.memref_squeeze %dma_start3A_222 : memref<1x512x32xf32, #tpu.memory_space<hbm>> -> memref<512x32xf32, #tpu.memory_space<hbm>>
    tpu.enqueue_dma source(%arg8 : memref<512x32xf32, #tpu.memory_space<vmem>>) target(%dma_start3A_223 : memref<512x32xf32, #tpu.memory_space<hbm>>) target_semaphore(%arg12 : memref<!tpu.dma_semaphore, #tpu.memory_space<semaphore_mem>>)
    %dma_wait3A_224 = arith.constant 0 : i32
    %dma_wait3A_225 = arith.constant 0 : i32
    %dma_wait3A_226 = tpu.memref_slice %arg4[%dma_wait3A_224, %mul3A_2, %dma_wait3A_225] : memref<50x16384x32xf32, #tpu.memory_space<hbm>> -> memref<1x512x32xf32, #tpu.memory_space<hbm>>
    %dma_wait3A_227 = tpu.memref_squeeze %dma_wait3A_226 : memref<1x512x32xf32, #tpu.memory_space<hbm>> -> memref<512x32xf32, #tpu.memory_space<hbm>>
    %dma_wait3A_228 = arith.constant 0 : i32
    %dma_wait3A_229 = tpu.memref_slice %arg4[%dma_wait3A_224, %mul3A_2, %dma_wait3A_228] : memref<50x16384x32xf32, #tpu.memory_space<hbm>> -> memref<1x512x32xf32, #tpu.memory_space<hbm>>
    %dma_wait3A_230 = tpu.memref_squeeze %dma_wait3A_229 : memref<1x512x32xf32, #tpu.memory_space<hbm>> -> memref<512x32xf32, #tpu.memory_space<hbm>>
    tpu.wait_dma2 semaphore(%arg12 : memref<!tpu.dma_semaphore, #tpu.memory_space<semaphore_mem>>) src(%arg8 : memref<512x32xf32, #tpu.memory_space<vmem>>) dst(%dma_wait3A_230 : memref<512x32xf32, #tpu.memory_space<hbm>>)
    %run_scoped3A_231 = arith.constant 3 : i32
    "tpu.region"() ({
      %run_scoped3A_291 = tpu.sem_alloc : memref<!tpu.dma_semaphore, #tpu.memory_space<semaphore_mem>>
      %dma_start3A_292 = arith.constant 0 : i32
      %dma_start3A_293 = arith.constant 0 : i32
      %dma_start3A_294 = tpu.memref_slice %arg2[%run_scoped3A_231, %add3A, %dma_start3A_292, %dma_start3A_293] : memref<50x32x4x128xi32, #tpu.memory_space<hbm>> -> memref<1x1x4x128xi32, #tpu.memory_space<hbm>>
      %dma_start3A_295 = tpu.memref_squeeze %dma_start3A_294 : memref<1x1x4x128xi32, #tpu.memory_space<hbm>> -> memref<4x128xi32, #tpu.memory_space<hbm>>
      %dma_start3A_296 = arith.constant 0 : i32
      %dma_start3A_297 = arith.constant 0 : i32
      %dma_start3A_298 = tpu.memref_slice %arg2[%run_scoped3A_231, %add3A, %dma_start3A_296, %dma_start3A_297] : memref<50x32x4x128xi32, #tpu.memory_space<hbm>> -> memref<1x1x4x128xi32, #tpu.memory_space<hbm>>
      %dma_start3A_299 = tpu.memref_squeeze %dma_start3A_298 : memref<1x1x4x128xi32, #tpu.memory_space<hbm>> -> memref<4x128xi32, #tpu.memory_space<hbm>>
      tpu.enqueue_dma source(%dma_start3A_299 : memref<4x128xi32, #tpu.memory_space<hbm>>) target(%arg6 : memref<4x128xi32, #tpu.memory_space<vmem>>) target_semaphore(%run_scoped3A_291 : memref<!tpu.dma_semaphore, #tpu.memory_space<semaphore_mem>>)
      %dma_wait3A_300 = arith.constant 0 : i32
      %dma_wait3A_301 = arith.constant 0 : i32
      %dma_wait3A_302 = tpu.memref_slice %arg2[%run_scoped3A_231, %add3A, %dma_wait3A_300, %dma_wait3A_301] : memref<50x32x4x128xi32, #tpu.memory_space<hbm>> -> memref<1x1x4x128xi32, #tpu.memory_space<hbm>>
      %dma_wait3A_303 = tpu.memref_squeeze %dma_wait3A_302 : memref<1x1x4x128xi32, #tpu.memory_space<hbm>> -> memref<4x128xi32, #tpu.memory_space<hbm>>
      %dma_wait3A_304 = arith.constant 0 : i32
      %dma_wait3A_305 = arith.constant 0 : i32
      %dma_wait3A_306 = tpu.memref_slice %arg2[%run_scoped3A_231, %add3A, %dma_wait3A_304, %dma_wait3A_305] : memref<50x32x4x128xi32, #tpu.memory_space<hbm>> -> memref<1x1x4x128xi32, #tpu.memory_space<hbm>>
      %dma_wait3A_307 = tpu.memref_squeeze %dma_wait3A_306 : memref<1x1x4x128xi32, #tpu.memory_space<hbm>> -> memref<4x128xi32, #tpu.memory_space<hbm>>
      tpu.wait_dma2 semaphore(%run_scoped3A_291 : memref<!tpu.dma_semaphore, #tpu.memory_space<semaphore_mem>>) src(%dma_wait3A_307 : memref<4x128xi32, #tpu.memory_space<hbm>>) dst(%arg6 : memref<4x128xi32, #tpu.memory_space<vmem>>)
      tpu.yield
    }) : () -> ()
    %dma_start3A_232 = arith.constant 0 : i32
    %dma_start3A_233 = arith.constant 0 : i32
    %dma_start3A_234 = arith.constant 0 : i32
    %dma_start3A_235 = tpu.memref_slice %arg8[%dma_start3A_233, %dma_start3A_234] : memref<512x32xf32, #tpu.memory_space<vmem>> -> memref<128x32xf32, #tpu.memory_space<vmem>>
    %dma_start3A_236 = arith.constant 0 : i32
    %dma_start3A_237 = tpu.memref_slice %arg6[%dma_start3A_232, %dma_start3A_236] : memref<4x128xi32, #tpu.memory_space<vmem>> -> memref<1x128xi32, #tpu.memory_space<vmem>>
    %dma_start3A_238 = tpu.memref_squeeze %dma_start3A_237 : memref<1x128xi32, #tpu.memory_space<vmem>> -> memref<128xi32, #tpu.memory_space<vmem>>
    %dma_start3A_239 = arith.constant 0 : i32
    %dma_start3A_240 = arith.constant 0 : i32
    %dma_start3A_241 = tpu.memref_slice %arg3[%dma_start3A_239, %dma_start3A_240] : memref<1000000x32xf32, #tpu.memory_space<hbm>> -> memref<1000000x32xf32, #tpu.memory_space<hbm>>
    tpu.enqueue_indirect_dma source(%dma_start3A_241 : memref<1000000x32xf32, #tpu.memory_space<hbm>>) target(%dma_start3A_235 : memref<128x32xf32, #tpu.memory_space<vmem>>) offsets(%dma_start3A_238 : memref<128xi32, #tpu.memory_space<vmem>>) semaphore(%arg10 : memref<!tpu.dma_semaphore, #tpu.memory_space<semaphore_mem>>)
    %dma_start3A_242 = arith.constant 1 : i32
    %dma_start3A_243 = arith.constant 128 : i32
    %dma_start3A_244 = arith.constant 0 : i32
    %dma_start3A_245 = tpu.memref_slice %arg8[%dma_start3A_243, %dma_start3A_244] : memref<512x32xf32, #tpu.memory_space<vmem>> -> memref<128x32xf32, #tpu.memory_space<vmem>>
    %dma_start3A_246 = arith.constant 0 : i32
    %dma_start3A_247 = tpu.memref_slice %arg6[%dma_start3A_242, %dma_start3A_246] : memref<4x128xi32, #tpu.memory_space<vmem>> -> memref<1x128xi32, #tpu.memory_space<vmem>>
    %dma_start3A_248 = tpu.memref_squeeze %dma_start3A_247 : memref<1x128xi32, #tpu.memory_space<vmem>> -> memref<128xi32, #tpu.memory_space<vmem>>
    %dma_start3A_249 = arith.constant 0 : i32
    %dma_start3A_250 = arith.constant 0 : i32
    %dma_start3A_251 = tpu.memref_slice %arg3[%dma_start3A_249, %dma_start3A_250] : memref<1000000x32xf32, #tpu.memory_space<hbm>> -> memref<1000000x32xf32, #tpu.memory_space<hbm>>
    tpu.enqueue_indirect_dma source(%dma_start3A_251 : memref<1000000x32xf32, #tpu.memory_space<hbm>>) target(%dma_start3A_245 : memref<128x32xf32, #tpu.memory_space<vmem>>) offsets(%dma_start3A_248 : memref<128xi32, #tpu.memory_space<vmem>>) semaphore(%arg10 : memref<!tpu.dma_semaphore, #tpu.memory_space<semaphore_mem>>)
    %dma_start3A_252 = arith.constant 2 : i32
    %dma_start3A_253 = arith.constant 256 : i32
    %dma_start3A_254 = arith.constant 0 : i32
    %dma_start3A_255 = tpu.memref_slice %arg8[%dma_start3A_253, %dma_start3A_254] : memref<512x32xf32, #tpu.memory_space<vmem>> -> memref<128x32xf32, #tpu.memory_space<vmem>>
    %dma_start3A_256 = arith.constant 0 : i32
    %dma_start3A_257 = tpu.memref_slice %arg6[%dma_start3A_252, %dma_start3A_256] : memref<4x128xi32, #tpu.memory_space<vmem>> -> memref<1x128xi32, #tpu.memory_space<vmem>>
    %dma_start3A_258 = tpu.memref_squeeze %dma_start3A_257 : memref<1x128xi32, #tpu.memory_space<vmem>> -> memref<128xi32, #tpu.memory_space<vmem>>
    %dma_start3A_259 = arith.constant 0 : i32
    %dma_start3A_260 = arith.constant 0 : i32
    %dma_start3A_261 = tpu.memref_slice %arg3[%dma_start3A_259, %dma_start3A_260] : memref<1000000x32xf32, #tpu.memory_space<hbm>> -> memref<1000000x32xf32, #tpu.memory_space<hbm>>
    tpu.enqueue_indirect_dma source(%dma_start3A_261 : memref<1000000x32xf32, #tpu.memory_space<hbm>>) target(%dma_start3A_255 : memref<128x32xf32, #tpu.memory_space<vmem>>) offsets(%dma_start3A_258 : memref<128xi32, #tpu.memory_space<vmem>>) semaphore(%arg10 : memref<!tpu.dma_semaphore, #tpu.memory_space<semaphore_mem>>)
    %dma_start3A_262 = arith.constant 3 : i32
    %dma_start3A_263 = arith.constant 384 : i32
    %dma_start3A_264 = arith.constant 0 : i32
    %dma_start3A_265 = tpu.memref_slice %arg8[%dma_start3A_263, %dma_start3A_264] : memref<512x32xf32, #tpu.memory_space<vmem>> -> memref<128x32xf32, #tpu.memory_space<vmem>>
    %dma_start3A_266 = arith.constant 0 : i32
    %dma_start3A_267 = tpu.memref_slice %arg6[%dma_start3A_262, %dma_start3A_266] : memref<4x128xi32, #tpu.memory_space<vmem>> -> memref<1x128xi32, #tpu.memory_space<vmem>>
    %dma_start3A_268 = tpu.memref_squeeze %dma_start3A_267 : memref<1x128xi32, #tpu.memory_space<vmem>> -> memref<128xi32, #tpu.memory_space<vmem>>
    %dma_start3A_269 = arith.constant 0 : i32
    %dma_start3A_270 = arith.constant 0 : i32
    %dma_start3A_271 = tpu.memref_slice %arg3[%dma_start3A_269, %dma_start3A_270] : memref<1000000x32xf32, #tpu.memory_space<hbm>> -> memref<1000000x32xf32, #tpu.memory_space<hbm>>
    tpu.enqueue_indirect_dma source(%dma_start3A_271 : memref<1000000x32xf32, #tpu.memory_space<hbm>>) target(%dma_start3A_265 : memref<128x32xf32, #tpu.memory_space<vmem>>) offsets(%dma_start3A_268 : memref<128xi32, #tpu.memory_space<vmem>>) semaphore(%arg10 : memref<!tpu.dma_semaphore, #tpu.memory_space<semaphore_mem>>)
    %scan3A = arith.constant 0 : i32
    %scan3A_272 = arith.constant 1 : i32
    %scan3A_273 = arith.constant 24 : i32
    %scan3A_274 = arith.addi %scan3A_272, %scan3A_273 : i32
    %scan3A_275 = arith.constant 1 : i32
    scf.for %scan3A_291 = %scan3A_272 to %scan3A_274 step %scan3A_275  : i32 {
      %mul3A_292 = arith.constant 2 : i32
      %mul3A_293 = arith.muli %scan3A_291, %mul3A_292 : i32
      %add3A_294 = arith.constant 0 : i32
      %add3A_295 = arith.addi %mul3A_293, %add3A_294 : i32
      %dma_wait3A_296 = arith.constant 0 : i32
      %dma_wait3A_297 = arith.constant 0 : i32
      %dma_wait3A_298 = arith.constant 0 : i32
      %dma_wait3A_299 = tpu.memref_slice %arg7[%dma_wait3A_297, %dma_wait3A_298] : memref<512x32xf32, #tpu.memory_space<vmem>> -> memref<128x32xf32, #tpu.memory_space<vmem>>
      %dma_wait3A_300 = arith.constant 0 : i32
      %dma_wait3A_301 = tpu.memref_slice %arg5[%dma_wait3A_296, %dma_wait3A_300] : memref<4x128xi32, #tpu.memory_space<vmem>> -> memref<1x128xi32, #tpu.memory_space<vmem>>
      %dma_wait3A_302 = tpu.memref_squeeze %dma_wait3A_301 : memref<1x128xi32, #tpu.memory_space<vmem>> -> memref<128xi32, #tpu.memory_space<vmem>>
      %dma_wait3A_303 = arith.constant 0 : i32
      %dma_wait3A_304 = arith.constant 0 : i32
      %dma_wait3A_305 = tpu.memref_slice %arg3[%dma_wait3A_303, %dma_wait3A_304] : memref<1000000x32xf32, #tpu.memory_space<hbm>> -> memref<1000000x32xf32, #tpu.memory_space<hbm>>
      tpu.wait_indirect_dma semaphore(%arg9 : memref<!tpu.dma_semaphore, #tpu.memory_space<semaphore_mem>>) src(%dma_wait3A_305 : memref<1000000x32xf32, #tpu.memory_space<hbm>>) dst(%dma_wait3A_299 : memref<128x32xf32, #tpu.memory_space<vmem>>)
      %dma_wait3A_306 = arith.constant 1 : i32
      %dma_wait3A_307 = arith.constant 128 : i32
      %dma_wait3A_308 = arith.constant 0 : i32
      %dma_wait3A_309 = tpu.memref_slice %arg7[%dma_wait3A_307, %dma_wait3A_308] : memref<512x32xf32, #tpu.memory_space<vmem>> -> memref<128x32xf32, #tpu.memory_space<vmem>>
      %dma_wait3A_310 = arith.constant 0 : i32
      %dma_wait3A_311 = tpu.memref_slice %arg5[%dma_wait3A_306, %dma_wait3A_310] : memref<4x128xi32, #tpu.memory_space<vmem>> -> memref<1x128xi32, #tpu.memory_space<vmem>>
      %dma_wait3A_312 = tpu.memref_squeeze %dma_wait3A_311 : memref<1x128xi32, #tpu.memory_space<vmem>> -> memref<128xi32, #tpu.memory_space<vmem>>
      %dma_wait3A_313 = arith.constant 0 : i32
      %dma_wait3A_314 = arith.constant 0 : i32
      %dma_wait3A_315 = tpu.memref_slice %arg3[%dma_wait3A_313, %dma_wait3A_314] : memref<1000000x32xf32, #tpu.memory_space<hbm>> -> memref<1000000x32xf32, #tpu.memory_space<hbm>>
      tpu.wait_indirect_dma semaphore(%arg9 : memref<!tpu.dma_semaphore, #tpu.memory_space<semaphore_mem>>) src(%dma_wait3A_315 : memref<1000000x32xf32, #tpu.memory_space<hbm>>) dst(%dma_wait3A_309 : memref<128x32xf32, #tpu.memory_space<vmem>>)
      %dma_wait3A_316 = arith.constant 2 : i32
      %dma_wait3A_317 = arith.constant 256 : i32
      %dma_wait3A_318 = arith.constant 0 : i32
      %dma_wait3A_319 = tpu.memref_slice %arg7[%dma_wait3A_317, %dma_wait3A_318] : memref<512x32xf32, #tpu.memory_space<vmem>> -> memref<128x32xf32, #tpu.memory_space<vmem>>
      %dma_wait3A_320 = arith.constant 0 : i32
      %dma_wait3A_321 = tpu.memref_slice %arg5[%dma_wait3A_316, %dma_wait3A_320] : memref<4x128xi32, #tpu.memory_space<vmem>> -> memref<1x128xi32, #tpu.memory_space<vmem>>
      %dma_wait3A_322 = tpu.memref_squeeze %dma_wait3A_321 : memref<1x128xi32, #tpu.memory_space<vmem>> -> memref<128xi32, #tpu.memory_space<vmem>>
      %dma_wait3A_323 = arith.constant 0 : i32
      %dma_wait3A_324 = arith.constant 0 : i32
      %dma_wait3A_325 = tpu.memref_slice %arg3[%dma_wait3A_323, %dma_wait3A_324] : memref<1000000x32xf32, #tpu.memory_space<hbm>> -> memref<1000000x32xf32, #tpu.memory_space<hbm>>
      tpu.wait_indirect_dma semaphore(%arg9 : memref<!tpu.dma_semaphore, #tpu.memory_space<semaphore_mem>>) src(%dma_wait3A_325 : memref<1000000x32xf32, #tpu.memory_space<hbm>>) dst(%dma_wait3A_319 : memref<128x32xf32, #tpu.memory_space<vmem>>)
      %dma_wait3A_326 = arith.constant 3 : i32
      %dma_wait3A_327 = arith.constant 384 : i32
      %dma_wait3A_328 = arith.constant 0 : i32
      %dma_wait3A_329 = tpu.memref_slice %arg7[%dma_wait3A_327, %dma_wait3A_328] : memref<512x32xf32, #tpu.memory_space<vmem>> -> memref<128x32xf32, #tpu.memory_space<vmem>>
      %dma_wait3A_330 = arith.constant 0 : i32
      %dma_wait3A_331 = tpu.memref_slice %arg5[%dma_wait3A_326, %dma_wait3A_330] : memref<4x128xi32, #tpu.memory_space<vmem>> -> memref<1x128xi32, #tpu.memory_space<vmem>>
      %dma_wait3A_332 = tpu.memref_squeeze %dma_wait3A_331 : memref<1x128xi32, #tpu.memory_space<vmem>> -> memref<128xi32, #tpu.memory_space<vmem>>
      %dma_wait3A_333 = arith.constant 0 : i32
      %dma_wait3A_334 = arith.constant 0 : i32
      %dma_wait3A_335 = tpu.memref_slice %arg3[%dma_wait3A_333, %dma_wait3A_334] : memref<1000000x32xf32, #tpu.memory_space<hbm>> -> memref<1000000x32xf32, #tpu.memory_space<hbm>>
      tpu.wait_indirect_dma semaphore(%arg9 : memref<!tpu.dma_semaphore, #tpu.memory_space<semaphore_mem>>) src(%dma_wait3A_335 : memref<1000000x32xf32, #tpu.memory_space<hbm>>) dst(%dma_wait3A_329 : memref<128x32xf32, #tpu.memory_space<vmem>>)
      %dma_start3A_336 = arith.constant 0 : i32
      %dma_start3A_337 = tpu.memref_slice %arg4[%add3A_295, %mul3A_2, %dma_start3A_336] : memref<50x16384x32xf32, #tpu.memory_space<hbm>> -> memref<1x512x32xf32, #tpu.memory_space<hbm>>
      %dma_start3A_338 = tpu.memref_squeeze %dma_start3A_337 : memref<1x512x32xf32, #tpu.memory_space<hbm>> -> memref<512x32xf32, #tpu.memory_space<hbm>>
      %dma_start3A_339 = arith.constant 0 : i32
      %dma_start3A_340 = tpu.memref_slice %arg4[%add3A_295, %mul3A_2, %dma_start3A_339] : memref<50x16384x32xf32, #tpu.memory_space<hbm>> -> memref<1x512x32xf32, #tpu.memory_space<hbm>>
      %dma_start3A_341 = tpu.memref_squeeze %dma_start3A_340 : memref<1x512x32xf32, #tpu.memory_space<hbm>> -> memref<512x32xf32, #tpu.memory_space<hbm>>
      tpu.enqueue_dma source(%arg7 : memref<512x32xf32, #tpu.memory_space<vmem>>) target(%dma_start3A_341 : memref<512x32xf32, #tpu.memory_space<hbm>>) target_semaphore(%arg11 : memref<!tpu.dma_semaphore, #tpu.memory_space<semaphore_mem>>)
      %le3A = arith.constant 23 : i32
      %le3A_342 = arith.cmpi sle, %scan3A_291, %le3A : i32
      %convert_element_type3A = arith.extui %le3A_342 : i1 to i32
      %cond3A = arith.constant 0 : i32
      %cond3A_343 = arith.cmpi ne, %convert_element_type3A, %cond3A : i32
      scf.if %cond3A_343 {
        %dma_wait3A_399 = arith.constant 0 : i32
        %dma_wait3A_400 = arith.constant 0 : i32
        %dma_wait3A_401 = tpu.memref_slice %arg4[%dma_wait3A_399, %mul3A_2, %dma_wait3A_400] : memref<50x16384x32xf32, #tpu.memory_space<hbm>> -> memref<1x512x32xf32, #tpu.memory_space<hbm>>
        %dma_wait3A_402 = tpu.memref_squeeze %dma_wait3A_401 : memref<1x512x32xf32, #tpu.memory_space<hbm>> -> memref<512x32xf32, #tpu.memory_space<hbm>>
        %dma_wait3A_403 = arith.constant 0 : i32
        %dma_wait3A_404 = tpu.memref_slice %arg4[%dma_wait3A_399, %mul3A_2, %dma_wait3A_403] : memref<50x16384x32xf32, #tpu.memory_space<hbm>> -> memref<1x512x32xf32, #tpu.memory_space<hbm>>
        %dma_wait3A_405 = tpu.memref_squeeze %dma_wait3A_404 : memref<1x512x32xf32, #tpu.memory_space<hbm>> -> memref<512x32xf32, #tpu.memory_space<hbm>>
        tpu.wait_dma2 semaphore(%arg11 : memref<!tpu.dma_semaphore, #tpu.memory_space<semaphore_mem>>) src(%arg7 : memref<512x32xf32, #tpu.memory_space<vmem>>) dst(%dma_wait3A_405 : memref<512x32xf32, #tpu.memory_space<hbm>>)
        %add3A_406 = arith.constant 2 : i32
        %add3A_407 = arith.addi %add3A_295, %add3A_406 : i32
        "tpu.region"() ({
          %run_scoped3A_448 = tpu.sem_alloc : memref<!tpu.dma_semaphore, #tpu.memory_space<semaphore_mem>>
          %dma_start3A_449 = arith.constant 0 : i32
          %dma_start3A_450 = arith.constant 0 : i32
          %dma_start3A_451 = tpu.memref_slice %arg2[%add3A_407, %add3A, %dma_start3A_449, %dma_start3A_450] : memref<50x32x4x128xi32, #tpu.memory_space<hbm>> -> memref<1x1x4x128xi32, #tpu.memory_space<hbm>>
          %dma_start3A_452 = tpu.memref_squeeze %dma_start3A_451 : memref<1x1x4x128xi32, #tpu.memory_space<hbm>> -> memref<4x128xi32, #tpu.memory_space<hbm>>
          %dma_start3A_453 = arith.constant 0 : i32
          %dma_start3A_454 = arith.constant 0 : i32
          %dma_start3A_455 = tpu.memref_slice %arg2[%add3A_407, %add3A, %dma_start3A_453, %dma_start3A_454] : memref<50x32x4x128xi32, #tpu.memory_space<hbm>> -> memref<1x1x4x128xi32, #tpu.memory_space<hbm>>
          %dma_start3A_456 = tpu.memref_squeeze %dma_start3A_455 : memref<1x1x4x128xi32, #tpu.memory_space<hbm>> -> memref<4x128xi32, #tpu.memory_space<hbm>>
          tpu.enqueue_dma source(%dma_start3A_456 : memref<4x128xi32, #tpu.memory_space<hbm>>) target(%arg5 : memref<4x128xi32, #tpu.memory_space<vmem>>) target_semaphore(%run_scoped3A_448 : memref<!tpu.dma_semaphore, #tpu.memory_space<semaphore_mem>>)
          %dma_wait3A_457 = arith.constant 0 : i32
          %dma_wait3A_458 = arith.constant 0 : i32
          %dma_wait3A_459 = tpu.memref_slice %arg2[%add3A_407, %add3A, %dma_wait3A_457, %dma_wait3A_458] : memref<50x32x4x128xi32, #tpu.memory_space<hbm>> -> memref<1x1x4x128xi32, #tpu.memory_space<hbm>>
          %dma_wait3A_460 = tpu.memref_squeeze %dma_wait3A_459 : memref<1x1x4x128xi32, #tpu.memory_space<hbm>> -> memref<4x128xi32, #tpu.memory_space<hbm>>
          %dma_wait3A_461 = arith.constant 0 : i32
          %dma_wait3A_462 = arith.constant 0 : i32
          %dma_wait3A_463 = tpu.memref_slice %arg2[%add3A_407, %add3A, %dma_wait3A_461, %dma_wait3A_462] : memref<50x32x4x128xi32, #tpu.memory_space<hbm>> -> memref<1x1x4x128xi32, #tpu.memory_space<hbm>>
          %dma_wait3A_464 = tpu.memref_squeeze %dma_wait3A_463 : memref<1x1x4x128xi32, #tpu.memory_space<hbm>> -> memref<4x128xi32, #tpu.memory_space<hbm>>
          tpu.wait_dma2 semaphore(%run_scoped3A_448 : memref<!tpu.dma_semaphore, #tpu.memory_space<semaphore_mem>>) src(%dma_wait3A_464 : memref<4x128xi32, #tpu.memory_space<hbm>>) dst(%arg5 : memref<4x128xi32, #tpu.memory_space<vmem>>)
          tpu.yield
        }) : () -> ()
        %dma_start3A_408 = arith.constant 0 : i32
        %dma_start3A_409 = arith.constant 0 : i32
        %dma_start3A_410 = arith.constant 0 : i32
        %dma_start3A_411 = tpu.memref_slice %arg7[%dma_start3A_409, %dma_start3A_410] : memref<512x32xf32, #tpu.memory_space<vmem>> -> memref<128x32xf32, #tpu.memory_space<vmem>>
        %dma_start3A_412 = arith.constant 0 : i32
        %dma_start3A_413 = tpu.memref_slice %arg5[%dma_start3A_408, %dma_start3A_412] : memref<4x128xi32, #tpu.memory_space<vmem>> -> memref<1x128xi32, #tpu.memory_space<vmem>>
        %dma_start3A_414 = tpu.memref_squeeze %dma_start3A_413 : memref<1x128xi32, #tpu.memory_space<vmem>> -> memref<128xi32, #tpu.memory_space<vmem>>
        %dma_start3A_415 = arith.constant 0 : i32
        %dma_start3A_416 = arith.constant 0 : i32
        %dma_start3A_417 = tpu.memref_slice %arg3[%dma_start3A_415, %dma_start3A_416] : memref<1000000x32xf32, #tpu.memory_space<hbm>> -> memref<1000000x32xf32, #tpu.memory_space<hbm>>
        tpu.enqueue_indirect_dma source(%dma_start3A_417 : memref<1000000x32xf32, #tpu.memory_space<hbm>>) target(%dma_start3A_411 : memref<128x32xf32, #tpu.memory_space<vmem>>) offsets(%dma_start3A_414 : memref<128xi32, #tpu.memory_space<vmem>>) semaphore(%arg9 : memref<!tpu.dma_semaphore, #tpu.memory_space<semaphore_mem>>)
        %dma_start3A_418 = arith.constant 1 : i32
        %dma_start3A_419 = arith.constant 128 : i32
        %dma_start3A_420 = arith.constant 0 : i32
        %dma_start3A_421 = tpu.memref_slice %arg7[%dma_start3A_419, %dma_start3A_420] : memref<512x32xf32, #tpu.memory_space<vmem>> -> memref<128x32xf32, #tpu.memory_space<vmem>>
        %dma_start3A_422 = arith.constant 0 : i32
        %dma_start3A_423 = tpu.memref_slice %arg5[%dma_start3A_418, %dma_start3A_422] : memref<4x128xi32, #tpu.memory_space<vmem>> -> memref<1x128xi32, #tpu.memory_space<vmem>>
        %dma_start3A_424 = tpu.memref_squeeze %dma_start3A_423 : memref<1x128xi32, #tpu.memory_space<vmem>> -> memref<128xi32, #tpu.memory_space<vmem>>
        %dma_start3A_425 = arith.constant 0 : i32
        %dma_start3A_426 = arith.constant 0 : i32
        %dma_start3A_427 = tpu.memref_slice %arg3[%dma_start3A_425, %dma_start3A_426] : memref<1000000x32xf32, #tpu.memory_space<hbm>> -> memref<1000000x32xf32, #tpu.memory_space<hbm>>
        tpu.enqueue_indirect_dma source(%dma_start3A_427 : memref<1000000x32xf32, #tpu.memory_space<hbm>>) target(%dma_start3A_421 : memref<128x32xf32, #tpu.memory_space<vmem>>) offsets(%dma_start3A_424 : memref<128xi32, #tpu.memory_space<vmem>>) semaphore(%arg9 : memref<!tpu.dma_semaphore, #tpu.memory_space<semaphore_mem>>)
        %dma_start3A_428 = arith.constant 2 : i32
        %dma_start3A_429 = arith.constant 256 : i32
        %dma_start3A_430 = arith.constant 0 : i32
        %dma_start3A_431 = tpu.memref_slice %arg7[%dma_start3A_429, %dma_start3A_430] : memref<512x32xf32, #tpu.memory_space<vmem>> -> memref<128x32xf32, #tpu.memory_space<vmem>>
        %dma_start3A_432 = arith.constant 0 : i32
        %dma_start3A_433 = tpu.memref_slice %arg5[%dma_start3A_428, %dma_start3A_432] : memref<4x128xi32, #tpu.memory_space<vmem>> -> memref<1x128xi32, #tpu.memory_space<vmem>>
        %dma_start3A_434 = tpu.memref_squeeze %dma_start3A_433 : memref<1x128xi32, #tpu.memory_space<vmem>> -> memref<128xi32, #tpu.memory_space<vmem>>
        %dma_start3A_435 = arith.constant 0 : i32
        %dma_start3A_436 = arith.constant 0 : i32
        %dma_start3A_437 = tpu.memref_slice %arg3[%dma_start3A_435, %dma_start3A_436] : memref<1000000x32xf32, #tpu.memory_space<hbm>> -> memref<1000000x32xf32, #tpu.memory_space<hbm>>
        tpu.enqueue_indirect_dma source(%dma_start3A_437 : memref<1000000x32xf32, #tpu.memory_space<hbm>>) target(%dma_start3A_431 : memref<128x32xf32, #tpu.memory_space<vmem>>) offsets(%dma_start3A_434 : memref<128xi32, #tpu.memory_space<vmem>>) semaphore(%arg9 : memref<!tpu.dma_semaphore, #tpu.memory_space<semaphore_mem>>)
        %dma_start3A_438 = arith.constant 3 : i32
        %dma_start3A_439 = arith.constant 384 : i32
        %dma_start3A_440 = arith.constant 0 : i32
        %dma_start3A_441 = tpu.memref_slice %arg7[%dma_start3A_439, %dma_start3A_440] : memref<512x32xf32, #tpu.memory_space<vmem>> -> memref<128x32xf32, #tpu.memory_space<vmem>>
        %dma_start3A_442 = arith.constant 0 : i32
        %dma_start3A_443 = tpu.memref_slice %arg5[%dma_start3A_438, %dma_start3A_442] : memref<4x128xi32, #tpu.memory_space<vmem>> -> memref<1x128xi32, #tpu.memory_space<vmem>>
        %dma_start3A_444 = tpu.memref_squeeze %dma_start3A_443 : memref<1x128xi32, #tpu.memory_space<vmem>> -> memref<128xi32, #tpu.memory_space<vmem>>
        %dma_start3A_445 = arith.constant 0 : i32
        %dma_start3A_446 = arith.constant 0 : i32
        %dma_start3A_447 = tpu.memref_slice %arg3[%dma_start3A_445, %dma_start3A_446] : memref<1000000x32xf32, #tpu.memory_space<hbm>> -> memref<1000000x32xf32, #tpu.memory_space<hbm>>
        tpu.enqueue_indirect_dma source(%dma_start3A_447 : memref<1000000x32xf32, #tpu.memory_space<hbm>>) target(%dma_start3A_441 : memref<128x32xf32, #tpu.memory_space<vmem>>) offsets(%dma_start3A_444 : memref<128xi32, #tpu.memory_space<vmem>>) semaphore(%arg9 : memref<!tpu.dma_semaphore, #tpu.memory_space<semaphore_mem>>)
      } else {
      }
      %mul3A_344 = arith.constant 2 : i32
      %mul3A_345 = arith.muli %scan3A_291, %mul3A_344 : i32
      %add3A_346 = arith.constant 1 : i32
      %add3A_347 = arith.addi %mul3A_345, %add3A_346 : i32
      %dma_wait3A_348 = arith.constant 0 : i32
      %dma_wait3A_349 = arith.constant 0 : i32
      %dma_wait3A_350 = arith.constant 0 : i32
      %dma_wait3A_351 = tpu.memref_slice %arg8[%dma_wait3A_349, %dma_wait3A_350] : memref<512x32xf32, #tpu.memory_space<vmem>> -> memref<128x32xf32, #tpu.memory_space<vmem>>
      %dma_wait3A_352 = arith.constant 0 : i32
      %dma_wait3A_353 = tpu.memref_slice %arg6[%dma_wait3A_348, %dma_wait3A_352] : memref<4x128xi32, #tpu.memory_space<vmem>> -> memref<1x128xi32, #tpu.memory_space<vmem>>
      %dma_wait3A_354 = tpu.memref_squeeze %dma_wait3A_353 : memref<1x128xi32, #tpu.memory_space<vmem>> -> memref<128xi32, #tpu.memory_space<vmem>>
      %dma_wait3A_355 = arith.constant 0 : i32
      %dma_wait3A_356 = arith.constant 0 : i32
      %dma_wait3A_357 = tpu.memref_slice %arg3[%dma_wait3A_355, %dma_wait3A_356] : memref<1000000x32xf32, #tpu.memory_space<hbm>> -> memref<1000000x32xf32, #tpu.memory_space<hbm>>
      tpu.wait_indirect_dma semaphore(%arg10 : memref<!tpu.dma_semaphore, #tpu.memory_space<semaphore_mem>>) src(%dma_wait3A_357 : memref<1000000x32xf32, #tpu.memory_space<hbm>>) dst(%dma_wait3A_351 : memref<128x32xf32, #tpu.memory_space<vmem>>)
      %dma_wait3A_358 = arith.constant 1 : i32
      %dma_wait3A_359 = arith.constant 128 : i32
      %dma_wait3A_360 = arith.constant 0 : i32
      %dma_wait3A_361 = tpu.memref_slice %arg8[%dma_wait3A_359, %dma_wait3A_360] : memref<512x32xf32, #tpu.memory_space<vmem>> -> memref<128x32xf32, #tpu.memory_space<vmem>>
      %dma_wait3A_362 = arith.constant 0 : i32
      %dma_wait3A_363 = tpu.memref_slice %arg6[%dma_wait3A_358, %dma_wait3A_362] : memref<4x128xi32, #tpu.memory_space<vmem>> -> memref<1x128xi32, #tpu.memory_space<vmem>>
      %dma_wait3A_364 = tpu.memref_squeeze %dma_wait3A_363 : memref<1x128xi32, #tpu.memory_space<vmem>> -> memref<128xi32, #tpu.memory_space<vmem>>
      %dma_wait3A_365 = arith.constant 0 : i32
      %dma_wait3A_366 = arith.constant 0 : i32
      %dma_wait3A_367 = tpu.memref_slice %arg3[%dma_wait3A_365, %dma_wait3A_366] : memref<1000000x32xf32, #tpu.memory_space<hbm>> -> memref<1000000x32xf32, #tpu.memory_space<hbm>>
      tpu.wait_indirect_dma semaphore(%arg10 : memref<!tpu.dma_semaphore, #tpu.memory_space<semaphore_mem>>) src(%dma_wait3A_367 : memref<1000000x32xf32, #tpu.memory_space<hbm>>) dst(%dma_wait3A_361 : memref<128x32xf32, #tpu.memory_space<vmem>>)
      %dma_wait3A_368 = arith.constant 2 : i32
      %dma_wait3A_369 = arith.constant 256 : i32
      %dma_wait3A_370 = arith.constant 0 : i32
      %dma_wait3A_371 = tpu.memref_slice %arg8[%dma_wait3A_369, %dma_wait3A_370] : memref<512x32xf32, #tpu.memory_space<vmem>> -> memref<128x32xf32, #tpu.memory_space<vmem>>
      %dma_wait3A_372 = arith.constant 0 : i32
      %dma_wait3A_373 = tpu.memref_slice %arg6[%dma_wait3A_368, %dma_wait3A_372] : memref<4x128xi32, #tpu.memory_space<vmem>> -> memref<1x128xi32, #tpu.memory_space<vmem>>
      %dma_wait3A_374 = tpu.memref_squeeze %dma_wait3A_373 : memref<1x128xi32, #tpu.memory_space<vmem>> -> memref<128xi32, #tpu.memory_space<vmem>>
      %dma_wait3A_375 = arith.constant 0 : i32
      %dma_wait3A_376 = arith.constant 0 : i32
      %dma_wait3A_377 = tpu.memref_slice %arg3[%dma_wait3A_375, %dma_wait3A_376] : memref<1000000x32xf32, #tpu.memory_space<hbm>> -> memref<1000000x32xf32, #tpu.memory_space<hbm>>
      tpu.wait_indirect_dma semaphore(%arg10 : memref<!tpu.dma_semaphore, #tpu.memory_space<semaphore_mem>>) src(%dma_wait3A_377 : memref<1000000x32xf32, #tpu.memory_space<hbm>>) dst(%dma_wait3A_371 : memref<128x32xf32, #tpu.memory_space<vmem>>)
      %dma_wait3A_378 = arith.constant 3 : i32
      %dma_wait3A_379 = arith.constant 384 : i32
      %dma_wait3A_380 = arith.constant 0 : i32
      %dma_wait3A_381 = tpu.memref_slice %arg8[%dma_wait3A_379, %dma_wait3A_380] : memref<512x32xf32, #tpu.memory_space<vmem>> -> memref<128x32xf32, #tpu.memory_space<vmem>>
      %dma_wait3A_382 = arith.constant 0 : i32
      %dma_wait3A_383 = tpu.memref_slice %arg6[%dma_wait3A_378, %dma_wait3A_382] : memref<4x128xi32, #tpu.memory_space<vmem>> -> memref<1x128xi32, #tpu.memory_space<vmem>>
      %dma_wait3A_384 = tpu.memref_squeeze %dma_wait3A_383 : memref<1x128xi32, #tpu.memory_space<vmem>> -> memref<128xi32, #tpu.memory_space<vmem>>
      %dma_wait3A_385 = arith.constant 0 : i32
      %dma_wait3A_386 = arith.constant 0 : i32
      %dma_wait3A_387 = tpu.memref_slice %arg3[%dma_wait3A_385, %dma_wait3A_386] : memref<1000000x32xf32, #tpu.memory_space<hbm>> -> memref<1000000x32xf32, #tpu.memory_space<hbm>>
      tpu.wait_indirect_dma semaphore(%arg10 : memref<!tpu.dma_semaphore, #tpu.memory_space<semaphore_mem>>) src(%dma_wait3A_387 : memref<1000000x32xf32, #tpu.memory_space<hbm>>) dst(%dma_wait3A_381 : memref<128x32xf32, #tpu.memory_space<vmem>>)
      %dma_start3A_388 = arith.constant 0 : i32
      %dma_start3A_389 = tpu.memref_slice %arg4[%add3A_347, %mul3A_2, %dma_start3A_388] : memref<50x16384x32xf32, #tpu.memory_space<hbm>> -> memref<1x512x32xf32, #tpu.memory_space<hbm>>
      %dma_start3A_390 = tpu.memref_squeeze %dma_start3A_389 : memref<1x512x32xf32, #tpu.memory_space<hbm>> -> memref<512x32xf32, #tpu.memory_space<hbm>>
      %dma_start3A_391 = arith.constant 0 : i32
      %dma_start3A_392 = tpu.memref_slice %arg4[%add3A_347, %mul3A_2, %dma_start3A_391] : memref<50x16384x32xf32, #tpu.memory_space<hbm>> -> memref<1x512x32xf32, #tpu.memory_space<hbm>>
      %dma_start3A_393 = tpu.memref_squeeze %dma_start3A_392 : memref<1x512x32xf32, #tpu.memory_space<hbm>> -> memref<512x32xf32, #tpu.memory_space<hbm>>
      tpu.enqueue_dma source(%arg8 : memref<512x32xf32, #tpu.memory_space<vmem>>) target(%dma_start3A_393 : memref<512x32xf32, #tpu.memory_space<hbm>>) target_semaphore(%arg12 : memref<!tpu.dma_semaphore, #tpu.memory_space<semaphore_mem>>)
      %le3A_394 = arith.constant 23 : i32
      %le3A_395 = arith.cmpi sle, %scan3A_291, %le3A_394 : i32
      %convert_element_type3A_396 = arith.extui %le3A_395 : i1 to i32
      %cond3A_397 = arith.constant 0 : i32
      %cond3A_398 = arith.cmpi ne, %convert_element_type3A_396, %cond3A_397 : i32
      scf.if %cond3A_398 {
        %dma_wait3A_399 = arith.constant 0 : i32
        %dma_wait3A_400 = arith.constant 0 : i32
        %dma_wait3A_401 = tpu.memref_slice %arg4[%dma_wait3A_399, %mul3A_2, %dma_wait3A_400] : memref<50x16384x32xf32, #tpu.memory_space<hbm>> -> memref<1x512x32xf32, #tpu.memory_space<hbm>>
        %dma_wait3A_402 = tpu.memref_squeeze %dma_wait3A_401 : memref<1x512x32xf32, #tpu.memory_space<hbm>> -> memref<512x32xf32, #tpu.memory_space<hbm>>
        %dma_wait3A_403 = arith.constant 0 : i32
        %dma_wait3A_404 = tpu.memref_slice %arg4[%dma_wait3A_399, %mul3A_2, %dma_wait3A_403] : memref<50x16384x32xf32, #tpu.memory_space<hbm>> -> memref<1x512x32xf32, #tpu.memory_space<hbm>>
        %dma_wait3A_405 = tpu.memref_squeeze %dma_wait3A_404 : memref<1x512x32xf32, #tpu.memory_space<hbm>> -> memref<512x32xf32, #tpu.memory_space<hbm>>
        tpu.wait_dma2 semaphore(%arg12 : memref<!tpu.dma_semaphore, #tpu.memory_space<semaphore_mem>>) src(%arg8 : memref<512x32xf32, #tpu.memory_space<vmem>>) dst(%dma_wait3A_405 : memref<512x32xf32, #tpu.memory_space<hbm>>)
        %add3A_406 = arith.constant 2 : i32
        %add3A_407 = arith.addi %add3A_347, %add3A_406 : i32
        "tpu.region"() ({
          %run_scoped3A_448 = tpu.sem_alloc : memref<!tpu.dma_semaphore, #tpu.memory_space<semaphore_mem>>
          %dma_start3A_449 = arith.constant 0 : i32
          %dma_start3A_450 = arith.constant 0 : i32
          %dma_start3A_451 = tpu.memref_slice %arg2[%add3A_407, %add3A, %dma_start3A_449, %dma_start3A_450] : memref<50x32x4x128xi32, #tpu.memory_space<hbm>> -> memref<1x1x4x128xi32, #tpu.memory_space<hbm>>
          %dma_start3A_452 = tpu.memref_squeeze %dma_start3A_451 : memref<1x1x4x128xi32, #tpu.memory_space<hbm>> -> memref<4x128xi32, #tpu.memory_space<hbm>>
          %dma_start3A_453 = arith.constant 0 : i32
          %dma_start3A_454 = arith.constant 0 : i32
          %dma_start3A_455 = tpu.memref_slice %arg2[%add3A_407, %add3A, %dma_start3A_453, %dma_start3A_454] : memref<50x32x4x128xi32, #tpu.memory_space<hbm>> -> memref<1x1x4x128xi32, #tpu.memory_space<hbm>>
          %dma_start3A_456 = tpu.memref_squeeze %dma_start3A_455 : memref<1x1x4x128xi32, #tpu.memory_space<hbm>> -> memref<4x128xi32, #tpu.memory_space<hbm>>
          tpu.enqueue_dma source(%dma_start3A_456 : memref<4x128xi32, #tpu.memory_space<hbm>>) target(%arg6 : memref<4x128xi32, #tpu.memory_space<vmem>>) target_semaphore(%run_scoped3A_448 : memref<!tpu.dma_semaphore, #tpu.memory_space<semaphore_mem>>)
          %dma_wait3A_457 = arith.constant 0 : i32
          %dma_wait3A_458 = arith.constant 0 : i32
          %dma_wait3A_459 = tpu.memref_slice %arg2[%add3A_407, %add3A, %dma_wait3A_457, %dma_wait3A_458] : memref<50x32x4x128xi32, #tpu.memory_space<hbm>> -> memref<1x1x4x128xi32, #tpu.memory_space<hbm>>
          %dma_wait3A_460 = tpu.memref_squeeze %dma_wait3A_459 : memref<1x1x4x128xi32, #tpu.memory_space<hbm>> -> memref<4x128xi32, #tpu.memory_space<hbm>>
          %dma_wait3A_461 = arith.constant 0 : i32
          %dma_wait3A_462 = arith.constant 0 : i32
          %dma_wait3A_463 = tpu.memref_slice %arg2[%add3A_407, %add3A, %dma_wait3A_461, %dma_wait3A_462] : memref<50x32x4x128xi32, #tpu.memory_space<hbm>> -> memref<1x1x4x128xi32, #tpu.memory_space<hbm>>
          %dma_wait3A_464 = tpu.memref_squeeze %dma_wait3A_463 : memref<1x1x4x128xi32, #tpu.memory_space<hbm>> -> memref<4x128xi32, #tpu.memory_space<hbm>>
          tpu.wait_dma2 semaphore(%run_scoped3A_448 : memref<!tpu.dma_semaphore, #tpu.memory_space<semaphore_mem>>) src(%dma_wait3A_464 : memref<4x128xi32, #tpu.memory_space<hbm>>) dst(%arg6 : memref<4x128xi32, #tpu.memory_space<vmem>>)
          tpu.yield
        }) : () -> ()
        %dma_start3A_408 = arith.constant 0 : i32
        %dma_start3A_409 = arith.constant 0 : i32
        %dma_start3A_410 = arith.constant 0 : i32
        %dma_start3A_411 = tpu.memref_slice %arg8[%dma_start3A_409, %dma_start3A_410] : memref<512x32xf32, #tpu.memory_space<vmem>> -> memref<128x32xf32, #tpu.memory_space<vmem>>
        %dma_start3A_412 = arith.constant 0 : i32
        %dma_start3A_413 = tpu.memref_slice %arg6[%dma_start3A_408, %dma_start3A_412] : memref<4x128xi32, #tpu.memory_space<vmem>> -> memref<1x128xi32, #tpu.memory_space<vmem>>
        %dma_start3A_414 = tpu.memref_squeeze %dma_start3A_413 : memref<1x128xi32, #tpu.memory_space<vmem>> -> memref<128xi32, #tpu.memory_space<vmem>>
        %dma_start3A_415 = arith.constant 0 : i32
        %dma_start3A_416 = arith.constant 0 : i32
        %dma_start3A_417 = tpu.memref_slice %arg3[%dma_start3A_415, %dma_start3A_416] : memref<1000000x32xf32, #tpu.memory_space<hbm>> -> memref<1000000x32xf32, #tpu.memory_space<hbm>>
        tpu.enqueue_indirect_dma source(%dma_start3A_417 : memref<1000000x32xf32, #tpu.memory_space<hbm>>) target(%dma_start3A_411 : memref<128x32xf32, #tpu.memory_space<vmem>>) offsets(%dma_start3A_414 : memref<128xi32, #tpu.memory_space<vmem>>) semaphore(%arg10 : memref<!tpu.dma_semaphore, #tpu.memory_space<semaphore_mem>>)
        %dma_start3A_418 = arith.constant 1 : i32
        %dma_start3A_419 = arith.constant 128 : i32
        %dma_start3A_420 = arith.constant 0 : i32
        %dma_start3A_421 = tpu.memref_slice %arg8[%dma_start3A_419, %dma_start3A_420] : memref<512x32xf32, #tpu.memory_space<vmem>> -> memref<128x32xf32, #tpu.memory_space<vmem>>
        %dma_start3A_422 = arith.constant 0 : i32
        %dma_start3A_423 = tpu.memref_slice %arg6[%dma_start3A_418, %dma_start3A_422] : memref<4x128xi32, #tpu.memory_space<vmem>> -> memref<1x128xi32, #tpu.memory_space<vmem>>
        %dma_start3A_424 = tpu.memref_squeeze %dma_start3A_423 : memref<1x128xi32, #tpu.memory_space<vmem>> -> memref<128xi32, #tpu.memory_space<vmem>>
        %dma_start3A_425 = arith.constant 0 : i32
        %dma_start3A_426 = arith.constant 0 : i32
        %dma_start3A_427 = tpu.memref_slice %arg3[%dma_start3A_425, %dma_start3A_426] : memref<1000000x32xf32, #tpu.memory_space<hbm>> -> memref<1000000x32xf32, #tpu.memory_space<hbm>>
        tpu.enqueue_indirect_dma source(%dma_start3A_427 : memref<1000000x32xf32, #tpu.memory_space<hbm>>) target(%dma_start3A_421 : memref<128x32xf32, #tpu.memory_space<vmem>>) offsets(%dma_start3A_424 : memref<128xi32, #tpu.memory_space<vmem>>) semaphore(%arg10 : memref<!tpu.dma_semaphore, #tpu.memory_space<semaphore_mem>>)
        %dma_start3A_428 = arith.constant 2 : i32
        %dma_start3A_429 = arith.constant 256 : i32
        %dma_start3A_430 = arith.constant 0 : i32
        %dma_start3A_431 = tpu.memref_slice %arg8[%dma_start3A_429, %dma_start3A_430] : memref<512x32xf32, #tpu.memory_space<vmem>> -> memref<128x32xf32, #tpu.memory_space<vmem>>
        %dma_start3A_432 = arith.constant 0 : i32
        %dma_start3A_433 = tpu.memref_slice %arg6[%dma_start3A_428, %dma_start3A_432] : memref<4x128xi32, #tpu.memory_space<vmem>> -> memref<1x128xi32, #tpu.memory_space<vmem>>
        %dma_start3A_434 = tpu.memref_squeeze %dma_start3A_433 : memref<1x128xi32, #tpu.memory_space<vmem>> -> memref<128xi32, #tpu.memory_space<vmem>>
        %dma_start3A_435 = arith.constant 0 : i32
        %dma_start3A_436 = arith.constant 0 : i32
        %dma_start3A_437 = tpu.memref_slice %arg3[%dma_start3A_435, %dma_start3A_436] : memref<1000000x32xf32, #tpu.memory_space<hbm>> -> memref<1000000x32xf32, #tpu.memory_space<hbm>>
        tpu.enqueue_indirect_dma source(%dma_start3A_437 : memref<1000000x32xf32, #tpu.memory_space<hbm>>) target(%dma_start3A_431 : memref<128x32xf32, #tpu.memory_space<vmem>>) offsets(%dma_start3A_434 : memref<128xi32, #tpu.memory_space<vmem>>) semaphore(%arg10 : memref<!tpu.dma_semaphore, #tpu.memory_space<semaphore_mem>>)
        %dma_start3A_438 = arith.constant 3 : i32
        %dma_start3A_439 = arith.constant 384 : i32
        %dma_start3A_440 = arith.constant 0 : i32
        %dma_start3A_441 = tpu.memref_slice %arg8[%dma_start3A_439, %dma_start3A_440] : memref<512x32xf32, #tpu.memory_space<vmem>> -> memref<128x32xf32, #tpu.memory_space<vmem>>
        %dma_start3A_442 = arith.constant 0 : i32
        %dma_start3A_443 = tpu.memref_slice %arg6[%dma_start3A_438, %dma_start3A_442] : memref<4x128xi32, #tpu.memory_space<vmem>> -> memref<1x128xi32, #tpu.memory_space<vmem>>
        %dma_start3A_444 = tpu.memref_squeeze %dma_start3A_443 : memref<1x128xi32, #tpu.memory_space<vmem>> -> memref<128xi32, #tpu.memory_space<vmem>>
        %dma_start3A_445 = arith.constant 0 : i32
        %dma_start3A_446 = arith.constant 0 : i32
        %dma_start3A_447 = tpu.memref_slice %arg3[%dma_start3A_445, %dma_start3A_446] : memref<1000000x32xf32, #tpu.memory_space<hbm>> -> memref<1000000x32xf32, #tpu.memory_space<hbm>>
        tpu.enqueue_indirect_dma source(%dma_start3A_447 : memref<1000000x32xf32, #tpu.memory_space<hbm>>) target(%dma_start3A_441 : memref<128x32xf32, #tpu.memory_space<vmem>>) offsets(%dma_start3A_444 : memref<128xi32, #tpu.memory_space<vmem>>) semaphore(%arg10 : memref<!tpu.dma_semaphore, #tpu.memory_space<semaphore_mem>>)
      } else {
      }
    }
    %scan3A_276 = arith.constant 24 : i32
    %dma_wait3A_277 = arith.constant 0 : i32
    %dma_wait3A_278 = arith.constant 0 : i32
    %dma_wait3A_279 = tpu.memref_slice %arg4[%dma_wait3A_277, %mul3A_2, %dma_wait3A_278] : memref<50x16384x32xf32, #tpu.memory_space<hbm>> -> memref<1x512x32xf32, #tpu.memory_space<hbm>>
    %dma_wait3A_280 = tpu.memref_squeeze %dma_wait3A_279 : memref<1x512x32xf32, #tpu.memory_space<hbm>> -> memref<512x32xf32, #tpu.memory_space<hbm>>
    %dma_wait3A_281 = arith.constant 0 : i32
    %dma_wait3A_282 = tpu.memref_slice %arg4[%dma_wait3A_277, %mul3A_2, %dma_wait3A_281] : memref<50x16384x32xf32, #tpu.memory_space<hbm>> -> memref<1x512x32xf32, #tpu.memory_space<hbm>>
    %dma_wait3A_283 = tpu.memref_squeeze %dma_wait3A_282 : memref<1x512x32xf32, #tpu.memory_space<hbm>> -> memref<512x32xf32, #tpu.memory_space<hbm>>
    tpu.wait_dma2 semaphore(%arg11 : memref<!tpu.dma_semaphore, #tpu.memory_space<semaphore_mem>>) src(%arg7 : memref<512x32xf32, #tpu.memory_space<vmem>>) dst(%dma_wait3A_283 : memref<512x32xf32, #tpu.memory_space<hbm>>)
    %dma_wait3A_284 = arith.constant 0 : i32
    %dma_wait3A_285 = arith.constant 0 : i32
    %dma_wait3A_286 = tpu.memref_slice %arg4[%dma_wait3A_284, %mul3A_2, %dma_wait3A_285] : memref<50x16384x32xf32, #tpu.memory_space<hbm>> -> memref<1x512x32xf32, #tpu.memory_space<hbm>>
    %dma_wait3A_287 = tpu.memref_squeeze %dma_wait3A_286 : memref<1x512x32xf32, #tpu.memory_space<hbm>> -> memref<512x32xf32, #tpu.memory_space<hbm>>
    %dma_wait3A_288 = arith.constant 0 : i32
    %dma_wait3A_289 = tpu.memref_slice %arg4[%dma_wait3A_284, %mul3A_2, %dma_wait3A_288] : memref<50x16384x32xf32, #tpu.memory_space<hbm>> -> memref<1x512x32xf32, #tpu.memory_space<hbm>>
    %dma_wait3A_290 = tpu.memref_squeeze %dma_wait3A_289 : memref<1x512x32xf32, #tpu.memory_space<hbm>> -> memref<512x32xf32, #tpu.memory_space<hbm>>
    tpu.wait_dma2 semaphore(%arg12 : memref<!tpu.dma_semaphore, #tpu.memory_space<semaphore_mem>>) src(%arg8 : memref<512x32xf32, #tpu.memory_space<vmem>>) dst(%dma_wait3A_290 : memref<512x32xf32, #tpu.memory_space<hbm>>)
    return
  }
}

</mosaic_0001>

<sc_bundles>
// kernel: _embed.3.cloned.1.call-start
scs
__scs_entry_jumppad:
0x0: {  	(pc) =	sbr.rel $0x88, $3  }
0x1: {  	(tag) =	ssettag $0x0;
	lr =	simm.s32 $0x1  }
0x2: {  	[smem:$0x3F9F] =	sst lr;
	_ =	strace $0xD0000000  }
0x3: {  	_ = 	snop  }
0x4: {  	_ = 	snop  }
0x5: {  	_ = 	snop  }
0x6: {  	_ = 	snop  }
0x7: {  	_ = 	snop  }
__scs_overlays_trampoline_lowered:
0x8: {  	[smem:$0x3FAE] =	sst s0  }
0x9: {  	[smem:$0x3FAF] =	sst s1  }
0xa: {  	[smem:$0x3FB0] =	sst s2  }
0xb: {  	[smem:$0x3FB1] =	sst s3  }
0xc: {  	[smem:$0x3FB2] =	sst s4  }
0xd: {  	[smem:$0x3FB3] =	sst s5  }
0xe: {  	[smem:$0x3FB4] =	sst s6  }
0xf: {  	[smem:$0x3FB5] =	sst s7  }
0x10: {  	[smem:$0x3FB6] =	sst s8  }
0x11: {  	[smem:$0x3FB7] =	sst s9;
	s0 =	simm.s32 @!p0 $0x0  }
0x12: {  	s1 =	sld [smem:$0x3F9D];
	s0 =	simm.s32 @p0 $0x1  }
0x13: {  	[smem:$0x3FB8] =	sst s0;
	s0 =	simm.s32 @!p1 $0x0  }
0x14: {  	s2 =	sld [smem:$0x3F9C];
	s0 =	simm.s32 @p1 $0x1  }
0x15: {  	[smem:$0x3FB9] =	sst s0;
	s0 =	simm.s32 @!p2 $0x0  }
0x16: {  	s3 =	sld [smem:$0x3FDB];
	s0 =	simm.s32 @p2 $0x1  }
0x17: {  	s4 =	simm.s32 $0x1BF5;
	[smem:$0x3FBB] =	sst s0  }
0x18: {  	s0 =	sld [smem:$0x3F9E];
	_ =	swait.ge [sflag:s4], $0x0  }
0x19: {  	s7 =	sld [smem:$0x3F9F]  }
0x1a: {  	s8 =	sadd.s32 $0xFFFFE003, lr  }
0x1b: {  	s9 =	sadd.s32 $0xFFFFFEF7, lr;
	s5 =	simm.s32 $0xFFFFFFFF;
	p2 =	slt.u32 s8, $0xFFFFF086  }
0x1c: {  	p1 =	slt.u32 s9, $0xF7A;
	s5 =	simm.s32 @!p2 $0x0  }
0x1d: {  	s5 =	simm.s32 @p1 $0x1;
	p0 =	seq.s32 s7, s2  }
0x1e: {  	s7 =	smul.u32 @!p0 $0xF7A, s2;
	p2 =	seq.s32 @!p0 s5, $0x0  }
0x1f: {  	s9 =	smul.u32 $0xF7A, s1;
	s8 =	simm.s32 @!p0 $0x1BF5;
	p2 =	por !p2, p0  }
0x20: {  	[sflag:s8] =	ssyncset.s32 @!p0 $0xFFFFF086;
	s6 =	sadd.s32 @!p0 s3, s7;
	s7 =	simm.s32 @!p0 $0x108  }
0x21: {  	s3 =	sadd.s32 s3, s9;
	s6 =	sadd.s32 @!p0 $0x88, s6;
	s7 =	simm.s32 @p2 $0x1082  }
0x22: {  	[simem:s7], [sflag:s8] =	dma.local @!p0 [hbm:s6], $0xF7A  }
0x23: {  	s9 =	sor.u32 $0xD0000000, s2;
	s6 =	simm.s32 $0x108;
	_ =	swait.ge @!p0 [sflag:s8], $0x0  }
0x24: {  	s3 =	sadd.s32 $0x88, s3;
	s6 =	simm.s32 @!p1 $0x1082;
	[sflag:s4] =	ssyncset.s32 $0xFFFFF086  }
0x25: {  	[simem:s6], [sflag:s4] =	dma.local [hbm:s3], $0xF7A  }
0x26: {  	[smem:$0x3F9F] =	sst s1;
	(tag) =	ssettag s2;
	_ =	strace s9  }
0x27: {  	s1 =	sld [smem:$0x3FAF]  }
0x28: {  	s2 =	sld [smem:$0x3FB0]  }
0x29: {  	s4 =	sld [smem:$0x3FB2]  }
0x2a: {  	p0 =	seq.s32 s5, $0x0;
	s5 =	sld [smem:$0x3FB3]  }
0x2b: {  	s6 =	sld [smem:$0x3FB4]  }
0x2c: {  	s7 =	sld [smem:$0x3FB5]  }
0x2d: {  	s3 =	simm.s32 $0x108;
	s8 =	sld [smem:$0x3FB6]  }
0x2e: {  	s3 =	simm.s32 @!p0 $0x1082;
	s9 =	sld [smem:$0x3FB7]  }
0x2f: {  	lr =	sadd.s32 s0, s3;
	s0 =	sld [smem:$0x3FAE]  }
0x30: {  	s3 =	sld [smem:$0x3FB1]  }
0x31: {  	[smem:$0x3FBA] =	sst s10  }
0x32: {  	s10 =	sld [smem:$0x3FB8];
	_ =	sdelay $0x3  }
0x33: {  	p0 =	seq.s32 s10, $0x1;
	s10 =	sld [smem:$0x3FBA];
	_ =	sdelay $0x3  }
0x34: {  	[smem:$0x3FBA] =	sst s10  }
0x35: {  	s10 =	sld [smem:$0x3FB9];
	_ =	sdelay $0x3  }
0x36: {  	p1 =	seq.s32 s10, $0x1;
	s10 =	sld [smem:$0x3FBA];
	_ =	sdelay $0x3  }
0x37: {  	[smem:$0x3FBA] =	sst s10  }
0x38: {  	s10 =	sld [smem:$0x3FBB]  }
0x39: {  	_ = 	snop;
	(pc) =	sbr.ind lr, $3  }
0x3a: {  	_ = 	snop  }
0x3b: {  	_ = 	snop  }
0x3c: {  	p2 =	seq.s32 s10, $0x1;
	s10 =	sld [smem:$0x3FBA]  }
0x3d: {  	_ =	shalt  }
0x3e: {  	_ =	shalt  }
0x3f: {  	_ =	shalt  }
0x40: {  	_ =	shalt  }
0x41: {  	_ =	shalt  }
0x42: {  	_ =	shalt  }
0x43: {  	_ =	shalt  }
0x44: {  	_ =	shalt  }
0x45: {  	_ =	shalt  }
0x46: {  	_ =	shalt  }
0x47: {  	_ =	shalt  }
0x48: {  	_ =	shalt  }
0x49: {  	_ =	shalt  }
0x4a: {  	_ =	shalt  }
0x4b: {  	_ =	shalt  }
0x4c: {  	_ =	shalt  }
0x4d: {  	_ =	shalt  }
0x4e: {  	_ =	shalt  }
0x4f: {  	_ =	shalt  }
0x50: {  	_ =	shalt  }
0x51: {  	_ =	shalt  }
0x52: {  	_ =	shalt  }
0x53: {  	_ =	shalt  }
0x54: {  	_ =	shalt  }
0x55: {  	_ =	shalt  }
0x56: {  	_ =	shalt  }
0x57: {  	_ =	shalt  }
0x58: {  	_ =	shalt  }
0x59: {  	_ =	shalt  }
0x5a: {  	_ =	shalt  }
0x5b: {  	_ =	shalt  }
0x5c: {  	_ =	shalt  }
0x5d: {  	_ =	shalt  }
0x5e: {  	_ =	shalt  }
0x5f: {  	_ =	shalt  }
0x60: {  	_ =	shalt  }
0x61: {  	_ =	shalt  }
0x62: {  	_ =	shalt  }
0x63: {  	_ =	shalt  }
0x64: {  	_ =	shalt  }
0x65: {  	_ =	shalt  }
0x66: {  	_ =	shalt  }
0x67: {  	_ =	shalt  }
0x68: {  	_ =	shalt  }
0x69: {  	_ =	shalt  }
0x6a: {  	_ =	shalt  }
0x6b: {  	_ =	shalt  }
0x6c: {  	_ =	shalt  }
0x6d: {  	_ =	shalt  }
0x6e: {  	_ =	shalt  }
0x6f: {  	_ =	shalt  }
0x70: {  	_ =	shalt  }
0x71: {  	_ =	shalt  }
0x72: {  	_ =	shalt  }
0x73: {  	_ =	shalt  }
0x74: {  	_ =	shalt  }
0x75: {  	_ =	shalt  }
0x76: {  	_ =	shalt  }
0x77: {  	_ =	shalt  }
0x78: {  	_ =	shalt  }
0x79: {  	_ =	shalt  }
0x7a: {  	_ =	shalt  }
0x7b: {  	_ =	shalt  }
0x7c: {  	_ =	shalt  }
0x7d: {  	_ =	shalt  }
0x7e: {  	_ =	shalt  }
0x7f: {  	_ =	shalt  }
0x80: {  	_ =	shalt  }
0x81: {  	_ =	shalt  }
0x82: {  	_ =	shalt  }
0x83: {  	_ =	shalt  }
0x84: {  	_ =	shalt  }
0x85: {  	_ =	shalt  }
0x86: {  	_ =	shalt  }
0x87: {  	_ =	shalt  }
.Lfunc_end0:
.L_simem_size_0:
called_computation.1_lowered:
.L_overlay_start_0:
0x88: {  	s2 =	sld [smem:$0x3FD9]  }
0x89: {  	s3 =	sld [smem:$0x3FFE];
	_ =	sdelay $0x1  }
0x8a: {  	s1 =	srdreg.scid  }
0x8b: {  	s0 =	sand.u32 $0x1, s1  }
0x8c: {  	s17 =	sshll.u32 s0, $0xA;
	s2 =	sadd.s32 s3, s2  }
0x8d: {  	s2 =	sadd.s32 s2, s17  }
0x8e: {  	[smem:$0x3FC6] =	sst s2  }
0x8f: {  	_ = 	snop  }
0x90: {  	s2 =	sld [smem:$0x3FD0];
	(tm) =	ssettm $0x1  }
0x91: {  	s18 =	sld [smem:$0x3FFB];
	_ =	sdelay $0x3  }
0x92: {  	_ =	strace s18  }
0x93: {  	s3 =	sld [smem:$0x3FFC];
	_ =	sdelay $0x3  }
0x94: {  	_ =	strace s3  }
0x95: {  	s3 =	sld [smem:$0x3FFD];
	_ =	sdelay $0x3  }
0x96: {  	_ =	strace s3  }
0x97: {  	_ =	strace $0x8FFFFFFF  }
0x98: {  	s19 =	sld [smem:$0x3FDB];
	_ =	sdelay $0x1  }
0x99: {  	s4 =	simm.s32 $_scs_section_size  }
0x9a: {  	s5 =	simm.s32 $_size__tile_overlayer_lowered;
	s6 =	simm.s32 $_tile_overlayer_lowered  }
0x9b: {  	s22 =	simm.s32 $0x1BFF;
	s21 =	sshll.u32 s6, $0x1;
	s3 =	sadd.s32 s4, s19  }
0x9c: {  	s7 =	simm.s32 $0x0;
	s20 =	sshll.u32 s5, $0x1;
	s5 =	sadd.s32 s21, s3  }
0x9d: {  	[timem:s7], [sflag:s22] =	dma.local [hbm:s5], s20  }
0x9e: {  	_ =	swait.ge [sflag:s22], s20  }
0x9f: {  	s4 =	ssub.s32 $0x0, s20;
	[sflag:s22] =	ssyncset.done $0x0  }
0xa0: {  	[sflag:s22] =	ssyncadd.s32 s4;
	_ =	sdelay $0x1  }
0xa1: {  	s23 =	simm.s32 $0x1B8B  }
0xa2: {  	_ =	swait.ge [sflag:s23], $0x1  }
0xa3: {  	[sflag:s23] =	ssyncset.done $0x0  }
0xa4: {  	s25 =	simm.s32 $0x1B8E;
	s24 =	sld [smem:$0x3FFE];
	[sflag:s23] =	ssyncadd.s32 $0xFFFFFFFF  }
0xa5: {  	s26 =	simm.s32 $execute0_lowered;
	[smem:$0x3FD2] =	sst s25  }
0xa6: {  	s5 =	sshll.u32 s26, $0x1;
	_ =	strace $0x80000046;
	[dreg:$0x1] =	wrdreg $0xFFFFFFFF  }
0xa7: {  	s28 =	simm.s32 $_size_execute0_lowered;
	s3 =	sadd.s32 s3, s5;
	[dreg:$0x0] =	wrdreg $0x0  }
0xa8: {  	s5 =	sshll.u32 s28, $0x1;
	[dreg:$0x2] =	wrdreg s3  }
0xa9: {  	[dreg:$0x3] =	wrdreg s5  }
0xaa: {  	[dreg:$0x4] =	wrdreg $0xC0  }
0xab: {  	_ =	task [dreg:s7], $0x5FFFF  }
0xac: {  	[dreg:$0x1] =	wrdreg $0xFFFFFFFF  }
0xad: {  	[dreg:$0x0] =	wrdreg $0x60  }
0xae: {  	[dreg:$0x2] =	wrdreg s24  }
0xaf: {  	[dreg:$0x3] =	wrdreg s2  }
0xb0: {  	[dreg:$0x4] =	wrdreg $0x9  }
0xb1: {  	_ =	task.clear_ibuf [dreg:s7], $0x5FFFF;
	_ =	strace $0x90000046  }
0xb2: {  	s29 =	simm.s32 $0x9;
	_ =	strace $0x80000048  }
0xb3: {  	_ =	swait.ge [sflag:s29], $0x1  }
0xb4: {  	[sflag:s29] =	ssyncadd.s32 $0xFFFFFFFF  }
0xb5: {  	_ =	strace $0x90000048  }
0xb6: {  	_ =	sfence  }
0xb7: {  	s30 =	sld [smem:$0x0];
	_ =	sdelay $0x2  }
0xb8: {  	s31 =	sshll.u32 s1, $0xD;
	s1 =	sshrl.u32 s1, $0x2  }
0xb9: {  	s3 =	sand.u32 $0x4000, s31;
	s1 =	sadd.s32 s1, s30  }
0xba: {  	s0 =	sor.u32 s3, s0;
	s1 =	sshll.u32 s1, $0x11  }
0xbb: {  	s0 =	sor.u32 s1, s0  }
0xbc: {  	s0 =	sadd.s32 $0x8F2B, s0  }
0xbd: {  	[sflag:s0] =	ssyncadd.remote.s32 $0x1  }
0xbe: {  	_ =	sfence.sel $0xFFFF  }
0xbf: {  	[dreg:$0x0] =	wrdreg $0xFFFFFFFF;
	(pc) =	sbr.abs _section_cstart, $3  }
0xc0: {  	[dreg:$0x1] =	wrdreg $0xFFFFFFFF  }
0xc1: {  	_ =	task.clear_ibuf [dreg:s7], $0x2FFFF;
	_ =	strace $0x9FFFFFFF  }
0xc2: {  	(tm) =	ssettm $0x7FFFFFFF  }
0xc3: {  	_ =	shalt  }
tec
execute0_lowered:
.L_overlay_start_1:
0x0: {  	(tag) =	ssettag $0x1  }
0x1: {  	s0 =	rddreg [dreg:$0x0]  }
0x2: {  	s1 =	rddreg [dreg:$0x1]  }
0x3: {  	s3 =	srdreg.scid;
	s2 =	simm.s32 $0x0;
	s10 =	stileid.u32  }
0x4: {  	s14 =	simm.s32 $0x5;
	s15 =	simm.s32 $0x80;
	s28 =	simm.s32 $0x6400  }
0x5: {  	s29 =	simm.s32 $0x380;
	s30 =	simm.s32 $0x7400;
	s31 =	simm.s32 $0x1  }
0x6: {  	s5 =	sand.u32 $0x1, s3;
	[smem:$0x7FF] =	sst s2;
	s16 =	sshll.u32 s10, $0xA  }
0x7: {  	s7 =	sadd.s32 $0xA00, s0;
	s3 =	sadd.s32 $0xF42E00, s0;
	s21 =	sshll.u32 s10, $0xC  }
0x8: {  	s4 =	sshll.u32 s5, $0x9;
	_ =	strace $0x80000047;
	s17 =	ssub.s32 $0x2, s5  }
0x9: {  	s22 =	sadd.s32 s21, s1;
	s23 =	sshll.u32 s5, $0xB;
	s21 =	simm.s32 $0x3400  }
0xa: {  	s5 =	simm.s32 $0x4;
	s8 =	sor.u32 s4, s16;
	s6 =	sshrl.u32 s17, $0x1  }
0xb: {  	s16 =	simm.s32 $0x400;
	s4 =	sshrl.u32 s8, $0x3;
	s9 =	sshll.u32 s8, $0x2  }
0xc: {  	s0 =	ssub.s32 s17, s6;
	s24 =	sor.u32 $0x14000, s8;
	s8 =	sor.u32 $0x10000, s8  }
0xd: {  	s17 =	simm.s32 $0x1400;
	s4 =	sadd.s32 s7, s4;
	s19 =	sadd.s32 s1, s9  }
0xe: {  	s0 =	smax.u32 s0, $0x1;
	s25 =	sshrl.u32 s24, $0x3;
	s26 =	sshrl.u32 s8, $0x3  }
0xf: {  	s24 =	simm.s32 $0x280;
	s1 =	simm.s32 $0x2;
	[dreg:$0x5] =	wrdreg s19  }
0x10: {  	s18 =	sadd.s32 $0x800, s4;
	s20 =	sadd.s32 $0x1000, s4;
	[dreg:$0x3] =	wrdreg s4  }
0x11: {  	s6 =	sadd.s32 $0x10000, s19;
	s4 =	sadd.s32 $0x1800, s4;
	[dreg:$0x9] =	wrdreg s0  }
0x12: {  	s0 =	sadd.s32 s23, s22;
	s12 =	sadd.s32 s25, s7;
	s13 =	sadd.s32 s26, s7  }
.Ltmp0:
0x13: {  	s19 =	simm.s32 $0x2400;
	[dreg:$0x4] =	wrdreg s18;
	(pc) =	sbr.rel .LBB2_1-.Ltmp0, $4  }
0x14: {  	s22 =	simm.s32 $0x200;
	s23 =	simm.s32 $0x4400;
	[dreg:$0x6] =	wrdreg s20  }
0x15: {  	s25 =	simm.s32 $0x5400;
	s26 =	simm.s32 $0x300;
	[dreg:$0x7] =	wrdreg s6  }
0x16: {  	s7 =	simm.s32 $0x0;
	[dreg:$0x8] =	wrdreg s4;
	s8 =	sadd.s32 $0x20000, s0  }
0x17: {  	s18 =	simm.s32 $0x100;
	s20 =	simm.s32 $0x180;
	s0 =	simm.s32 $0x3  }
.LBB2_4:
0x18: {  	_ =	swait.ge [sflag:s0], $0x4000  }
0x19: {  	[sflag:s0] =	ssyncset.done $0x0  }
0x1a: {  	[sflag:s0] =	ssyncadd.s32 $0xFFFFC000  }
0x1b: {  	_ =	swait.ge [sflag:s5], $0x4000  }
0x1c: {  	s7 =	sadd.s32 $0x1, s7;
	s4 =	rddreg [dreg:$0x9]  }
0x1d: {  	p0 =	sne.s32 s7, s4  }
.Ltmp1:
0x1e: {  	_ = 	snop;
	(pc) =	sbr.rel @!p0 .LBB2_5-.Ltmp1, $3  }
0x1f: {  	_ =	sdelay $0x1  }
0x20: {  	[sflag:s5] =	ssyncset.done $0x0  }
0x21: {  	[sflag:s5] =	ssyncadd.s32 $0xFFFFC000  }
.LBB2_1:
0x22: {  	s4 =	rddreg [dreg:$0x3]  }
0x23: {  	[tilespmem:s2], [sflag:$0x5] =	stream.linear.gather [hbm4b:s4+s2], $0x200, $0x38;
	[tilespmem:$0x8400] =	vst v63  }
0x24: {  	_ =	swait.ge [sflag:s14], $0x200  }
0x25: {  	[sflag:s14] =	ssyncset.done $0x0  }
0x26: {  	[sflag:s14] =	ssyncadd.s32 $0xFFFFFE00  }
0x27: {  	[tilespmem:s16], [sflag:$0x1] =	stream.indirect.gather [hbm4b:s3+s15], $0x20, s2, s15, $0xb8;
	[tilespmem:$0x8400] =	vst v63  }
0x28: {  	_ = 	snop  }
0x29: {  	[tilespmem:s17], [sflag:$0x1] =	stream.indirect.gather [hbm4b:s3+s15], $0x20, s15, s15, $0xb8;
	[tilespmem:$0x8400] =	vst v63  }
0x2a: {  	_ = 	snop  }
0x2b: {  	[tilespmem:s19], [sflag:$0x1] =	stream.indirect.gather [hbm4b:s3+s15], $0x20, s18, s15, $0xb8;
	[tilespmem:$0x8400] =	vst v63  }
0x2c: {  	_ = 	snop  }
0x2d: {  	[tilespmem:s21], [sflag:$0x1] =	stream.indirect.gather [hbm4b:s3+s15], $0x20, s20, s15, $0xb8;
	[tilespmem:$0x8400] =	vst v63  }
0x2e: {  	s11 =	rddreg [dreg:$0x4]  }
0x2f: {  	[tilespmem:s22], [sflag:$0x5] =	stream.linear.gather [hbm4b:s11+s2], $0x200, $0x38;
	[tilespmem:$0x8400] =	vst v63  }
0x30: {  	_ =	swait.ge [sflag:s14], $0x200  }
0x31: {  	[sflag:s14] =	ssyncset.done $0x0  }
0x32: {  	[sflag:s14] =	ssyncadd.s32 $0xFFFFFE00  }
0x33: {  	[tilespmem:s23], [sflag:$0x2] =	stream.indirect.gather [hbm4b:s3+s15], $0x20, s22, s15, $0xb8;
	[tilespmem:$0x8400] =	vst v63  }
0x34: {  	_ = 	snop  }
0x35: {  	[tilespmem:s25], [sflag:$0x2] =	stream.indirect.gather [hbm4b:s3+s15], $0x20, s24, s15, $0xb8;
	[tilespmem:$0x8400] =	vst v63  }
0x36: {  	_ = 	snop  }
0x37: {  	[tilespmem:s28], [sflag:$0x2] =	stream.indirect.gather [hbm4b:s3+s15], $0x20, s26, s15, $0xb8;
	[tilespmem:$0x8400] =	vst v63  }
0x38: {  	_ = 	snop  }
0x39: {  	[tilespmem:s30], [sflag:$0x2] =	stream.indirect.gather [hbm4b:s3+s15], $0x20, s29, s15, $0xb8;
	[tilespmem:$0x8400] =	vst v63  }
0x3a: {  	_ =	swait.ge [sflag:s31], $0x1000  }
0x3b: {  	[sflag:s31] =	ssyncset.done $0x0  }
0x3c: {  	[sflag:s31] =	ssyncadd.s32 $0xFFFFF000  }
0x3d: {  	_ =	swait.ge [sflag:s31], $0x1000  }
0x3e: {  	[sflag:s31] =	ssyncset.done $0x0  }
0x3f: {  	[sflag:s31] =	ssyncadd.s32 $0xFFFFF000  }
0x40: {  	_ =	swait.ge [sflag:s31], $0x1000  }
0x41: {  	[sflag:s31] =	ssyncset.done $0x0  }
0x42: {  	[sflag:s31] =	ssyncadd.s32 $0xFFFFF000  }
0x43: {  	_ =	swait.ge [sflag:s31], $0x1000  }
0x44: {  	[sflag:s31] =	ssyncset.done $0x0  }
0x45: {  	s6 =	rddreg [dreg:$0x5];
	[sflag:s31] =	ssyncadd.s32 $0xFFFFF000  }
0x46: {  	[hbm4b:s6+s2] =	stream.linear.scatter [tilespmem:s16], [sflag:$0x3], $0x4000, $0x38;
	[tilespmem:$0x8400] =	vst v63  }
0x47: {  	_ =	swait.ge [sflag:s0], $0x4000  }
0x48: {  	[sflag:s0] =	ssyncset.done $0x0  }
0x49: {  	s9 =	rddreg [dreg:$0x6];
	[sflag:s0] =	ssyncadd.s32 $0xFFFFC000  }
0x4a: {  	[tilespmem:s2], [sflag:$0x5] =	stream.linear.gather [hbm4b:s9+s2], $0x200, $0x38;
	[tilespmem:$0x8400] =	vst v63  }
0x4b: {  	_ =	swait.ge [sflag:s14], $0x200  }
0x4c: {  	[sflag:s14] =	ssyncset.done $0x0  }
0x4d: {  	[sflag:s14] =	ssyncadd.s32 $0xFFFFFE00  }
0x4e: {  	[tilespmem:s16], [sflag:$0x1] =	stream.indirect.gather [hbm4b:s3+s15], $0x20, s2, s15, $0xb8;
	[tilespmem:$0x8400] =	vst v63  }
0x4f: {  	_ = 	snop  }
0x50: {  	[tilespmem:s17], [sflag:$0x1] =	stream.indirect.gather [hbm4b:s3+s15], $0x20, s15, s15, $0xb8;
	[tilespmem:$0x8400] =	vst v63  }
0x51: {  	_ = 	snop  }
0x52: {  	[tilespmem:s19], [sflag:$0x1] =	stream.indirect.gather [hbm4b:s3+s15], $0x20, s18, s15, $0xb8;
	[tilespmem:$0x8400] =	vst v63  }
0x53: {  	_ = 	snop  }
0x54: {  	[tilespmem:s21], [sflag:$0x1] =	stream.indirect.gather [hbm4b:s3+s15], $0x20, s20, s15, $0xb8;
	[tilespmem:$0x8400] =	vst v63  }
0x55: {  	_ =	swait.ge [sflag:s1], $0x1000  }
0x56: {  	[sflag:s1] =	ssyncset.done $0x0  }
0x57: {  	[sflag:s1] =	ssyncadd.s32 $0xFFFFF000  }
0x58: {  	_ =	swait.ge [sflag:s1], $0x1000  }
0x59: {  	[sflag:s1] =	ssyncset.done $0x0  }
0x5a: {  	[sflag:s1] =	ssyncadd.s32 $0xFFFFF000  }
0x5b: {  	_ =	swait.ge [sflag:s1], $0x1000  }
0x5c: {  	[sflag:s1] =	ssyncset.done $0x0  }
0x5d: {  	[sflag:s1] =	ssyncadd.s32 $0xFFFFF000  }
0x5e: {  	_ =	swait.ge [sflag:s1], $0x1000  }
0x5f: {  	[sflag:s1] =	ssyncset.done $0x0  }
0x60: {  	s10 =	rddreg [dreg:$0x7];
	[sflag:s1] =	ssyncadd.s32 $0xFFFFF000  }
0x61: {  	[hbm4b:s10+s2] =	stream.linear.scatter [tilespmem:s23], [sflag:$0x4], $0x4000, $0x38;
	[tilespmem:$0x8400] =	vst v63  }
0x62: {  	_ =	swait.ge [sflag:s5], $0x4000  }
0x63: {  	[sflag:s5] =	ssyncset.done $0x0  }
0x64: {  	s11 =	rddreg [dreg:$0x8];
	[sflag:s5] =	ssyncadd.s32 $0xFFFFC000  }
0x65: {  	[tilespmem:s22], [sflag:$0x5] =	stream.linear.gather [hbm4b:s11+s2], $0x200, $0x38;
	[tilespmem:$0x8400] =	vst v63  }
0x66: {  	_ =	swait.ge [sflag:s14], $0x200  }
0x67: {  	[sflag:s14] =	ssyncset.done $0x0  }
0x68: {  	[sflag:s14] =	ssyncadd.s32 $0xFFFFFE00  }
0x69: {  	[tilespmem:s23], [sflag:$0x2] =	stream.indirect.gather [hbm4b:s3+s15], $0x20, s22, s15, $0xb8;
	[tilespmem:$0x8400] =	vst v63  }
0x6a: {  	_ = 	snop  }
0x6b: {  	[tilespmem:s25], [sflag:$0x2] =	stream.indirect.gather [hbm4b:s3+s15], $0x20, s24, s15, $0xb8;
	[tilespmem:$0x8400] =	vst v63  }
0x6c: {  	_ = 	snop  }
0x6d: {  	[tilespmem:s28], [sflag:$0x2] =	stream.indirect.gather [hbm4b:s3+s15], $0x20, s26, s15, $0xb8;
	[tilespmem:$0x8400] =	vst v63  }
0x6e: {  	s9 =	simm.s32 $0x0;
	s11 =	smov.u32 s8  }
0x6f: {  	[tilespmem:s30], [sflag:$0x2] =	stream.indirect.gather [hbm4b:s3+s15], $0x20, s29, s15, $0xb8;
	[tilespmem:$0x8400] =	vst v63  }
.LBB2_2:
0x70: {  	_ =	swait.ge [sflag:s31], $0x1000  }
0x71: {  	[sflag:s31] =	ssyncset.done $0x0  }
0x72: {  	[sflag:s31] =	ssyncadd.s32 $0xFFFFF000  }
0x73: {  	_ =	swait.ge [sflag:s31], $0x1000  }
0x74: {  	[sflag:s31] =	ssyncset.done $0x0  }
0x75: {  	[sflag:s31] =	ssyncadd.s32 $0xFFFFF000  }
0x76: {  	_ =	swait.ge [sflag:s31], $0x1000  }
0x77: {  	[sflag:s31] =	ssyncset.done $0x0  }
0x78: {  	[sflag:s31] =	ssyncadd.s32 $0xFFFFF000  }
0x79: {  	_ =	swait.ge [sflag:s31], $0x1000  }
0x7a: {  	p0 =	seq.s32 s9, $0x17000;
	[sflag:s31] =	ssyncset.done $0x0  }
0x7b: {  	s10 =	simm.s32 @!p0 $0x3;
	[sflag:s31] =	ssyncadd.s32 $0xFFFFF000  }
0x7c: {  	[hbm4b:s11+s2] =	stream.linear.scatter [tilespmem:s16], [sflag:$0x3], $0x4000, $0x38;
	[tilespmem:$0x8400] =	vst v63  }
0x7d: {  	_ =	swait.ge @!p0 [sflag:s10], $0x4000  }
0x7e: {  	[sflag:s10] =	ssyncset.done @!p0 $0x0  }
0x7f: {  	s6 =	simm.s32 @!p0 $0x0;
	[sflag:s10] =	ssyncadd.s32 @!p0 $0xFFFFC000;
	s10 =	sadd.s32 @!p0 s9, s13  }
0x80: {  	[tilespmem:s6], [sflag:$0x5] =	stream.linear.gather @!p0 [hbm4b:s10+s6], $0x200, $0x38;
	[tilespmem:$0x8400] =	vst v63  }
0x81: {  	s10 =	simm.s32 @!p0 $0x5  }
0x82: {  	_ =	swait.ge @!p0 [sflag:s10], $0x200  }
0x83: {  	[sflag:s10] =	ssyncset.done @!p0 $0x0  }
0x84: {  	s4 =	simm.s32 @!p0 $0x400;
	[sflag:s10] =	ssyncadd.s32 @!p0 $0xFFFFFE00;
	s10 =	simm.s32 @!p0 $0x80  }
0x85: {  	[tilespmem:s4], [sflag:$0x1] =	stream.indirect.gather @!p0 [hbm4b:s3+s10], $0x20, s6, s10, $0xb8;
	[tilespmem:$0x8400] =	vst v63  }
0x86: {  	s4 =	simm.s32 @!p0 $0x1400  }
0x87: {  	[tilespmem:s4], [sflag:$0x1] =	stream.indirect.gather @!p0 [hbm4b:s3+s10], $0x20, s10, s10, $0xb8;
	[tilespmem:$0x8400] =	vst v63  }
0x88: {  	s6 =	simm.s32 @!p0 $0x2400;
	s4 =	simm.s32 @!p0 $0x100  }
0x89: {  	[tilespmem:s6], [sflag:$0x1] =	stream.indirect.gather @!p0 [hbm4b:s3+s10], $0x20, s4, s10, $0xb8;
	[tilespmem:$0x8400] =	vst v63  }
0x8a: {  	s4 =	simm.s32 @!p0 $0x180;
	s6 =	simm.s32 @!p0 $0x3400  }
0x8b: {  	[tilespmem:s6], [sflag:$0x1] =	stream.indirect.gather @!p0 [hbm4b:s3+s10], $0x20, s4, s10, $0xb8;
	[tilespmem:$0x8400] =	vst v63  }
0x8c: {  	_ =	swait.ge [sflag:s1], $0x1000  }
0x8d: {  	[sflag:s1] =	ssyncset.done $0x0  }
0x8e: {  	[sflag:s1] =	ssyncadd.s32 $0xFFFFF000  }
0x8f: {  	_ =	swait.ge [sflag:s1], $0x1000  }
0x90: {  	[sflag:s1] =	ssyncset.done $0x0  }
0x91: {  	[sflag:s1] =	ssyncadd.s32 $0xFFFFF000  }
0x92: {  	_ =	swait.ge [sflag:s1], $0x1000  }
0x93: {  	[sflag:s1] =	ssyncset.done $0x0  }
.Ltmp2:
0x94: {  	[sflag:s1] =	ssyncadd.s32 $0xFFFFF000;
	(pc) =	sbr.rel @p0 .LBB2_4-.Ltmp2, $4  }
0x95: {  	_ =	swait.ge [sflag:s1], $0x1000  }
0x96: {  	[sflag:s1] =	ssyncset.done $0x0  }
0x97: {  	s10 =	sadd.s32 $0x10000, s11;
	[sflag:s1] =	ssyncadd.s32 $0xFFFFF000  }
0x98: {  	[hbm4b:s10+s2] =	stream.linear.scatter [tilespmem:s23], [sflag:$0x4], $0x4000, $0x38;
	[tilespmem:$0x8400] =	vst v63  }
0x99: {  	_ =	swait.ge [sflag:s5], $0x4000  }
0x9a: {  	[sflag:s5] =	ssyncset.done $0x0  }
0x9b: {  	s4 =	sadd.s32 s9, s12;
	[sflag:s5] =	ssyncadd.s32 $0xFFFFC000  }
0x9c: {  	[tilespmem:s22], [sflag:$0x5] =	stream.linear.gather [hbm4b:s4+s2], $0x200, $0x38;
	[tilespmem:$0x8400] =	vst v63  }
0x9d: {  	_ =	swait.ge [sflag:s14], $0x200  }
0x9e: {  	[sflag:s14] =	ssyncset.done $0x0  }
0x9f: {  	[sflag:s14] =	ssyncadd.s32 $0xFFFFFE00  }
0xa0: {  	[tilespmem:s23], [sflag:$0x2] =	stream.indirect.gather [hbm4b:s3+s15], $0x20, s22, s15, $0xb8;
	[tilespmem:$0x8400] =	vst v63  }
0xa1: {  	_ = 	snop  }
0xa2: {  	[tilespmem:s25], [sflag:$0x2] =	stream.indirect.gather [hbm4b:s3+s15], $0x20, s24, s15, $0xb8;
	[tilespmem:$0x8400] =	vst v63  }
.Ltmp3:
0xa3: {  	_ = 	snop;
	(pc) =	sbr.rel .LBB2_2-.Ltmp3, $4  }
0xa4: {  	_ = 	snop  }
0xa5: {  	[tilespmem:s28], [sflag:$0x2] =	stream.indirect.gather [hbm4b:s3+s15], $0x20, s26, s15, $0xb8;
	[tilespmem:$0x8400] =	vst v63  }
0xa6: {  	s9 =	sadd.s32 $0x1000, s9;
	s11 =	sadd.s32 $0x20000, s11  }
0xa7: {  	[tilespmem:s30], [sflag:$0x2] =	stream.indirect.gather [hbm4b:s3+s15], $0x20, s29, s15, $0xb8;
	[tilespmem:$0x8400] =	vst v63  }
.LBB2_5:
0xa8: {  	_ =	sfence.sel $0x180000  }
0xa9: {  	[bflag:$0x0] =	sbarrier.arrive $0xFFFF  }
0xaa: {  	_ =	strace $0x90000047  }
0xab: {  	s0 =	stileid.u32;
	[bflag:$0x2] =	sbarrier.arrive $0xFFFF  }
0xac: {  	p0 =	sne.s32 s0, $0x0;
	s0 =	rddreg [dreg:$0x2]  }
0xad: {  	s0 =	sadd.s32 @!p0 $0x100000, s0  }
0xae: {  	[sflag:s0] =	ssyncadd.tile.s32 @!p0 $0x1;
	_ =	shalt  }
.Lfunc_end2:
_tile_overlayer_lowered:
.L_overlay_start_2:
0xaf: {  	(tag) =	ssettag $0x2  }
0xb0: {  	s0 =	rddreg [dreg:$0x0];
	s2 =	stileid.u32  }
0xb1: {  	s1 =	rddreg [dreg:$0x1];
	p0 =	sne.s32 s2, $0x0  }
0xb2: {  	s3 =	rddreg [dreg:$0x2];
	[bflag:$0x3] =	sbarrier.arrive $0xFFFF;
	s2 =	simm.s32 @!p0 $0x1C05  }
0xb3: {  	[timem:s3], [sflag:s2] =	dma.local @!p0 [hbm:s0], s1  }
0xb4: {  	s0 =	simm.s32 @!p0 $0x5  }
0xb5: {  	_ =	swait.ge @!p0 [sflag:s0], s1  }
0xb6: {  	s1 =	ssub.s32 @!p0 $0x0, s1;
	[sflag:s0] =	ssyncset.done @!p0 $0x0  }
0xb7: {  	[sflag:s0] =	ssyncadd.s32 @!p0 s1  }
0xb8: {  	[bflag:$0x3] =	sbarrier.arrive $0xFFFF  }
0xb9: {  	_ =	shalt  }

// kernel: sparse-core-data-format-call.cloned.1.call-start
scs
called_computation_lowered:
.L_overlay_start_0:
0x0: {  	s2 =	sld [smem:$0x3FD9]  }
0x1: {  	s3 =	sld [smem:$0x3FFE];
	_ =	sdelay $0x1  }
0x2: {  	s1 =	srdreg.scid  }
0x3: {  	s0 =	sand.u32 $0x1, s1  }
0x4: {  	s18 =	sshll.u32 s0, $0xA;
	s2 =	sadd.s32 s3, s2  }
0x5: {  	s2 =	sadd.s32 s2, s18  }
0x6: {  	[smem:$0x3FC6] =	sst s2  }
0x7: {  	_ = 	snop  }
0x8: {  	s2 =	sld [smem:$0x3FD0];
	(tm) =	ssettm $0x1  }
0x9: {  	s19 =	sld [smem:$0x3FFB];
	_ =	sdelay $0x3  }
0xa: {  	_ =	strace s19  }
0xb: {  	s3 =	sld [smem:$0x3FFC];
	_ =	sdelay $0x3  }
0xc: {  	_ =	strace s3  }
0xd: {  	s3 =	sld [smem:$0x3FFD];
	_ =	sdelay $0x3  }
0xe: {  	_ =	strace s3  }
0xf: {  	_ =	strace $0x8FFFFFFF  }
0x10: {  	s20 =	sld [smem:$0x3FDB];
	_ =	sdelay $0x1  }
0x11: {  	s4 =	simm.s32 $_scs_section_size  }
0x12: {  	s5 =	simm.s32 $_size__tile_overlayer_lowered;
	s6 =	simm.s32 $_tile_overlayer_lowered  }
0x13: {  	s23 =	simm.s32 $0x1BFF;
	s22 =	sshll.u32 s6, $0x1;
	s3 =	sadd.s32 s4, s20  }
0x14: {  	s7 =	simm.s32 $0x0;
	s21 =	sshll.u32 s5, $0x1;
	s5 =	sadd.s32 s22, s3  }
0x15: {  	[timem:s7], [sflag:s23] =	dma.local [hbm:s5], s21  }
0x16: {  	_ =	swait.ge [sflag:s23], s21  }
0x17: {  	s4 =	ssub.s32 $0x0, s21;
	[sflag:s23] =	ssyncset.done $0x0  }
0x18: {  	[sflag:s23] =	ssyncadd.s32 s4;
	_ =	sdelay $0x1  }
0x19: {  	s24 =	simm.s32 $0x1B8B  }
0x1a: {  	_ =	swait.ge [sflag:s24], $0x1  }
0x1b: {  	[sflag:s24] =	ssyncset.done $0x0  }
0x1c: {  	s26 =	simm.s32 $0x1B8E;
	s25 =	sld [smem:$0x3FFE];
	[sflag:s24] =	ssyncadd.s32 $0xFFFFFFFF  }
0x1d: {  	s27 =	simm.s32 $execute0_lowered;
	[smem:$0x3FD2] =	sst s26  }
0x1e: {  	s5 =	sshll.u32 s27, $0x1;
	_ =	strace $0x80000049;
	[dreg:$0x1] =	wrdreg $0xFFFFFFFF  }
0x1f: {  	s28 =	simm.s32 $_size_execute0_lowered;
	s3 =	sadd.s32 s3, s5;
	[dreg:$0x0] =	wrdreg $0x0  }
0x20: {  	s5 =	sshll.u32 s28, $0x1;
	[dreg:$0x2] =	wrdreg s3  }
0x21: {  	[dreg:$0x3] =	wrdreg s5  }
0x22: {  	[dreg:$0x4] =	wrdreg $0xC0  }
0x23: {  	_ =	task [dreg:s7], $0x5FFFF  }
0x24: {  	[dreg:$0x1] =	wrdreg $0xFFFFFFFF  }
0x25: {  	[dreg:$0x0] =	wrdreg $0x60  }
0x26: {  	[dreg:$0x2] =	wrdreg s25  }
0x27: {  	[dreg:$0x3] =	wrdreg s2  }
0x28: {  	[dreg:$0x4] =	wrdreg $0x9  }
0x29: {  	_ =	task.clear_ibuf [dreg:s7], $0x5FFFF;
	_ =	strace $0x90000049  }
0x2a: {  	s29 =	simm.s32 $0x9;
	_ =	strace $0x8000004B  }
0x2b: {  	_ =	swait.ge [sflag:s29], $0x1  }
0x2c: {  	[sflag:s29] =	ssyncadd.s32 $0xFFFFFFFF  }
0x2d: {  	_ =	strace $0x9000004B  }
0x2e: {  	_ =	sfence  }
0x2f: {  	s30 =	sld [smem:$0x0];
	_ =	sdelay $0x2  }
0x30: {  	s31 =	sshll.u32 s1, $0xD;
	s1 =	sshrl.u32 s1, $0x2  }
0x31: {  	s3 =	sand.u32 $0x4000, s31;
	s1 =	sadd.s32 s1, s30  }
0x32: {  	s0 =	sor.u32 s3, s0;
	s1 =	sshll.u32 s1, $0x11  }
0x33: {  	s0 =	sor.u32 s1, s0  }
0x34: {  	s0 =	sadd.s32 $0x8F2B, s0  }
0x35: {  	[sflag:s0] =	ssyncadd.remote.s32 $0x1  }
0x36: {  	_ =	sfence.sel $0xFFFF  }
0x37: {  	[dreg:$0x0] =	wrdreg $0xFFFFFFFF;
	(pc) =	sbr.abs _section_cstart, $3  }
0x38: {  	[dreg:$0x1] =	wrdreg $0xFFFFFFFF  }
0x39: {  	_ =	task.clear_ibuf [dreg:s7], $0x2FFFF;
	_ =	strace $0x9FFFFFFF  }
0x3a: {  	(tm) =	ssettm $0x7FFFFFFF  }
0x3b: {  	_ =	shalt  }
tec
execute0_lowered:
.L_overlay_start_1:
0x0: {  	(tag) =	ssettag $0x1  }
0x1: {  	s0 =	srdreg.scid  }
0x2: {  	s1 =	sshll.u32 s0, $0x4  }
0x3: {  	s0 =	stileid.u32;
	s1 =	sand.u32 $0x10, s1  }
0x4: {  	s7 =	rddreg [dreg:$0x0];
	s1 =	sor.u32 s0, s1  }
0x5: {  	s4 =	simm.s32 $0x1;
	s8 =	simm.s32 $0x2;
	s2 =	sshll.u32 s1, $0x7  }
0x6: {  	s13 =	simm.s32 $0x0;
	s9 =	simm.s32 $0x20000;
	s1 =	ssub.s32 $0x4000, s2  }
0x7: {  	s14 =	simm.s32 $0x0;
	s11 =	simm.s32 $0x0;
	s3 =	sand.u32 $0xF80, s1  }
0x8: {  	s12 =	simm.s32 $0x0;
	s5 =	sshrl.u32 s1, $0xC;
	p0 =	sne.s32 s3, $0x0  }
.Ltmp0:
0x9: {  	s1 =	rddreg [dreg:$0x2];
	s4 =	simm.s32 @!p0 $0x0;
	(pc) =	sbr.rel .LBB1_1-.Ltmp0, $4  }
0xa: {  	s6 =	sadd.s32 $0xA00, s7;
	s3 =	rddreg [dreg:$0x1];
	s5 =	sadd.s32 s4, s5  }
0xb: {  	_ =	strace $0x8000004A;
	s4 =	simm.s32 $0x1;
	s5 =	smul.u32 $0x19, s5  }
0xc: {  	s7 =	sadd.s32 $0x40A00, s7;
	s10 =	smov.u32 s2;
	[sflag:s4] =	ssyncpa.u1 $0x0  }
0xd: {  	p0 =	por $0x0, $0x0;
	[sflag:s8] =	ssyncpa.u1 $0x0;
	s8 =	sadd.s32 $0x1, s5  }
.LBB1_7:
0xe: {  	s15 =	sadd.s32 $0x1000, s10  }
0xf: {  	s13 =	sadd.s32 $0x2, s11;
	s17 =	smov.u32 s11;
	p2 =	sgt.s32 s15, $0x3FFF  }
0x10: {  	s17 =	smov.u32 @p2 s13  }
0x11: {  	s15 =	smov.u32 @p2 s2;
	p2 =	sgt.s32 s17, $0x31  }
0x12: {  	s17 =	simm.s32 @p2 $0x0;
	p2 =	sne.s32 s12, s8  }
.Ltmp1:
0x13: {  	p1 =	slt.u32 s12, $0x2;
	(pc) =	sbr.rel @!p2 .LBB1_8-.Ltmp1, $4  }
0x14: {  	s16 =	simm.s32 @!p1 $0x2  }
0x15: {  	s14 =	smov.u32 s11;
	p0 =	por !p0, !p0;
	_ =	swait.ge @!p1 [sflag:s16], $0x2000  }
0x16: {  	s13 =	smov.u32 s10;
	[sflag:s16] =	ssyncset.done @!p1 $0x0;
	s10 =	smov.u32 s15  }
0x17: {  	s12 =	sadd.s32 $0x1, s12;
	[sflag:s16] =	ssyncadd.s32 @!p1 $0xFFFFE000;
	s11 =	smov.u32 s17  }
.LBB1_1:
0x18: {  	p1 =	sge.u32 s12, s5  }
0x19: {  	s15 =	sxor.u32 @!p1 $0xFFFFFFFF, s12;
	s16 =	sshll.u32 @!p1 s11, $0x12  }
0x1a: {  	s17 =	sshll.u32 @!p1 s10, $0x4;
	s19 =	simm.s32 @!p1 $0x20;
	s20 =	simm.s32 @!p1 $0x80  }
0x1b: {  	s15 =	sshll.u32 @!p1 s15, $0xD;
	s17 =	sand.u32 @!p1 $0x3FFF0, s17;
	s18 =	sadd.s32 @!p1 s6, s16  }
0x1c: {  	s16 =	sadd.s32 @!p1 s16, s7;
	s15 =	sand.u32 @!p1 $0x2000, s15;
	s18 =	sadd.s32 @!p1 s17, s18  }
0x1d: {  	[tilespmem:s15], [sflag:$0x1] =	stream.strided.gather @!p1 [hbm4b:s18+s19], $0x1000, s20, s19, $0x38;
	[tilespmem:$0x8080] =	vst v63  }
0x1e: {  	s31 =	sadd.s32 $0xFFFFFFFF, s12;
	s16 =	sadd.s32 @!p1 s17, s16;
	s15 =	sor.u32 @!p1 $0x1000, s15  }
0x1f: {  	[tilespmem:s15], [sflag:$0x1] =	stream.strided.gather @!p1 [hbm4b:s16+s19], $0x1000, s20, s19, $0x38;
	[tilespmem:$0x8080] =	vst v63  }
0x20: {  	p1 =	sge.u32 s31, s5  }
.Ltmp2:
0x21: {  	_ = 	snop;
	(pc) =	sbr.rel @p1 .LBB1_7-.Ltmp2, $1  }
0x22: {  	_ =	sdelay $0x3  }
0x23: {  	s15 =	simm.s32 $0x1;
	s17 =	sand.u32 $0x1, s12  }
0x24: {  	_ =	swait.ge [sflag:s4], $0x2000;
	s15 =	simm.s32 @!p0 $0x0;
	s17 =	smul.u32 $0x8100, s17  }
0x25: {  	p2 =	por $0x1, $0x1;
	[sflag:s4] =	ssyncset.done $0x0;
	s16 =	smul.u32 $0x8100, s15  }
0x26: {  	s18 =	sshll.u32 s15, $0xF;
	[sflag:s4] =	ssyncadd.s32 $0xFFFFE000;
	s30 =	sshrl.u32 s17, $0x2  }
0x27: {  	s31 =	sshrl.u32 s18, $0x2;
	s18 =	simm.s32 $0x0;
	s16 =	sshrl.u32 s16, $0x2  }
0x28: {  	s15 =	sor.u32 $0x4000, s30;
	s17 =	sadd.s32 $0x10, s31;
	s16 =	sor.u32 $0x4000, s16  }
.LBB1_3:
0x29: {  	s19 =	sshll.u32 s18, $0xC  }
0x2a: {  	s19 =	sand.u32 $0x3FFFF000, s19  }
0x2b: {  	s20 =	sadd.s32 s19, s17  }
0x2c: {  	s31 =	smul.u32 $0x4080, s18;
	v1 =	vld [tilespmem:s20+$0x0]  }
0x2d: {  	v0 =	vld [tilespmem:s20+$0xFFFFFFF0]  }
0x2e: {  	s18 =	sshra.s32 s31, $0x2  }
0x2f: {  	s18 =	sadd.s32 s18, s16  }
0x30: {  	s21 =	sadd.s32 $0x0, s18  }
0x31: {  	p1 =	por p2, p2;
	s19 =	simm.s32 $0x4;
	s20 =	sadd.s32 $0x20, s20;
	[tilespmem:s21+$0x810 ss:$0x81] =	vst.msk $0xffff, v1  }
.LBB1_4:
0x32: {  	v1 =	vld [tilespmem:s20+$0x0];
	p2 =	sne.s32 s19, $0x1FC;
	[tilespmem:s21+$0x0 ss:$0x81] =	vst.msk $0xffff, v0;
	s21 =	smov.u32 s19;
	s19 =	sadd.s32 $0x4, s19  }
.Ltmp3:
0x33: {  	v0 =	vld [tilespmem:s20+$0xFFFFFFF0];
	(pc) =	sbr.rel @p2 .LBB1_4-.Ltmp3, $4  }
0x34: {  	_ = 	snop  }
0x35: {  	s21 =	sshra.s32 s21, $0x2  }
0x36: {  	s21 =	sadd.s32 s21, s18  }
0x37: {  	s20 =	sadd.s32 $0x20, s20;
	[tilespmem:s21+$0x810 ss:$0x81] =	vst.msk $0xffff, v1  }
.Ltmp4:
0x38: {  	(pc) =	sbr.rel @p1 .LBB1_3-.Ltmp4, $2  }
0x39: {  	_ =	sdelay $0x2  }
0x3a: {  	[tilespmem:s21+$0x0 ss:$0x81] =	vst.msk $0xffff, v0;
	s18 =	simm.s32 $0x1;
	p2 =	por $0x0, $0x0  }
0x3b: {  	s16 =	sshll.u32 s13, $0x3;
	s17 =	sand.u32 $0x78, s13;
	s14 =	sshll.u32 s14, $0x10  }
.Ltmp5:
0x3c: {  	s30 =	sand.u32 $0xF800, s13;
	s16 =	sand.u32 $0x3C00, s16;
	(pc) =	sbr.rel .LBB1_7-.Ltmp5, $4  }
0x3d: {  	s31 =	sand.u32 $0x7, s13;
	s14 =	sadd.s32 s3, s14;
	s16 =	sor.u32 s17, s16  }
0x3e: {  	s13 =	sshll.u32 s31, $0x12;
	s14 =	sadd.s32 s30, s14;
	s16 =	sshrl.u32 s16, $0x3  }
0x3f: {  	s13 =	sor.u32 $0x400, s13;
	s14 =	sadd.s32 s16, s14  }
0x40: {  	[hbm4b:s14+s13] =	stream.strided.scatter [tilespmem:s15], [sflag:$0x2], $0x2000, s9, s13, $0x20;
	[tilespmem:$0x8080] =	vst v63  }
.LBB1_8:
0x41: {  	_ =	sfence.sel $0x180000  }
0x42: {  	s2 =	simm.s32 $0x1;
	[bflag:$0x0] =	sbarrier.arrive $0xFFFF  }
0x43: {  	s31 =	simm.s32 $0x2;
	[sflag:s2] =	ssyncpa.u1 $0x1  }
0x44: {  	[sflag:s31] =	ssyncpa.u1 $0x1  }
0x45: {  	p0 =	sne.s32 s0, $0x0;
	_ =	strace $0x9000004A  }
0x46: {  	s0 =	sadd.s32 @!p0 $0x100000, s1;
	[bflag:$0x2] =	sbarrier.arrive $0xFFFF  }
0x47: {  	[sflag:s0] =	ssyncadd.tile.s32 @!p0 $0x1;
	_ =	shalt  }
.Lfunc_end1:
_tile_overlayer_lowered:
.L_overlay_start_2:
0x48: {  	(tag) =	ssettag $0x2  }
0x49: {  	s0 =	rddreg [dreg:$0x0];
	s2 =	stileid.u32  }
0x4a: {  	s1 =	rddreg [dreg:$0x1];
	p0 =	sne.s32 s2, $0x0  }
0x4b: {  	s3 =	rddreg [dreg:$0x2];
	[bflag:$0x3] =	sbarrier.arrive $0xFFFF;
	s2 =	simm.s32 @!p0 $0x1C01  }
0x4c: {  	[timem:s3], [sflag:s2] =	dma.local @!p0 [hbm:s0], s1  }
0x4d: {  	s0 =	simm.s32 @!p0 $0x1  }
0x4e: {  	_ =	swait.ge @!p0 [sflag:s0], s1  }
0x4f: {  	s1 =	ssub.s32 @!p0 $0x0, s1;
	[sflag:s0] =	ssyncset.done @!p0 $0x0  }
0x50: {  	[sflag:s0] =	ssyncadd.s32 @!p0 s1  }
0x51: {  	[bflag:$0x3] =	sbarrier.arrive $0xFFFF  }
0x52: {  	_ =	shalt  }

</sc_bundles>
